<compile_context>
chip_gen: v7x
topology: tpu7x:2x2x1
jax: 0.10.2.dev20260603
libtpu: 0.0.44.dev20260713+nightly
codegen_flags: <defaults>
</compile_context>

<pallas_src>
import jax
import jax.numpy as jnp
from jax import lax
from jax.experimental import pallas as pl
from jax.experimental.pallas import tpu as pltpu
from jax.experimental.pallas import tpu_sc as plsc

NC, NS, L = 2, 16, 16
NW = NC * NS
ROWS, COLS = 16384, 200
N_TOK = ROWS * COLS
JB, IB = COLS // 8, ROWS // 128
IBB = 4
UNITS = JB * (IB // IBB)
UPW = UNITS // NW
U_TOK = IBB * 1024
U_OUT = 2 * U_TOK

_PIO2_HI = 1.5707855224609375
_PIO2_LO = 1.0804334123550503e-05
_TWO_OVER_PI = 0.6366197723675814


def _sincos_table(scal_v, table_v):
    idx0 = jnp.zeros((L,), jnp.int32)
    a = plsc.load_gather(scal_v, [idx0 + 8])
    start = plsc.load_gather(scal_v, [idx0 + 24])
    stride = plsc.load_gather(scal_v, [idx0 + 40])
    d = lax.iota(jnp.int32, L).astype(jnp.float32)
    ang = start + d * stride
    kf = ang * _TWO_OVER_PI
    ki = jnp.where(kf >= 0, kf + 0.5, kf - 0.5).astype(jnp.int32)
    kx = ki.astype(jnp.float32)
    r = (ang - kx * _PIO2_HI) - kx * _PIO2_LO
    q = ki & 3
    r2 = r * r
    sp = r * (1.0 + r2 * (-1.0 / 6 + r2 * (1.0 / 120 + r2 * (-1.0 / 5040))))
    cp = 1.0 + r2 * (-1.0 / 2 + r2 * (1.0 / 24 + r2 * (
        -1.0 / 720 + r2 * (1.0 / 40320))))
    cos_v = jnp.where(q == 0, cp, jnp.where(q == 1, -sp,
                      jnp.where(q == 2, -cp, sp)))
    sin_v = jnp.where(q == 0, sp, jnp.where(q == 1, cp,
                      jnp.where(q == 2, -sp, -cp)))
    table_v[pl.ds(0, L)] = a * cos_v
    table_v[pl.ds(16, L)] = a * sin_v


def _sc_body(a_hbm, s_hbm, d_hbm, tok_hbm, out_hbm, scal_v, table_v,
             tok_v0, tok_v1, out_v0, out_v1, isem0, isem1, osem0, osem1):
    toks, outs = (tok_v0, tok_v1), (out_v0, out_v1)
    isems, osems = (isem0, isem1), (osem0, osem1)
    wid = lax.axis_index("s") * NC + lax.axis_index("c")
    base = wid * UPW

    def start_in(n, b):
        u = base + n
        jb = u >> 5
        ibb = u & 31
        pltpu.async_copy(
            tok_hbm.at[pl.ds(jb * 131072 + ibb * U_TOK, U_TOK)], toks[b],
            isems[b])

    def drain_in(b):
        pltpu.make_async_copy(
            tok_hbm.at[pl.ds(0, U_TOK)], toks[b], isems[b]).wait()

    def start_out(n, b):
        u = base + n
        jb = u >> 5
        ibb = u & 31
        pltpu.async_copy(
            outs[b],
            out_hbm.at[pl.ds(jb * 8, 8), pl.ds(ibb * IBB, IBB)],
            osems[b])

    def drain_out(b):
        pltpu.make_async_copy(
            out_hbm.at[pl.ds(0, 8), pl.ds(0, IBB)], outs[b], osems[b]).wait()

    def compute(b):
        tok_ref, out_ref = toks[b], outs[b]

        @plsc.parallel_loop(0, 256, unroll=8)
        def _vec(v):
            jr = v >> 5
            ibl = (v >> 3) & 3
            s = v & 7
            src = ibl * 1024 + jr * 128 + s * 16
            col = s * 16
            t = tok_ref[pl.ds(src, 16)]
            out_ref[jr, ibl, 0, pl.ds(col, 16)] = plsc.load_gather(
                table_v, [t])
            out_ref[jr, ibl, 1, pl.ds(col, 16)] = plsc.load_gather(
                table_v, [t + 16])

    start_in(0, 0)
    start_in(1, 1)
    pltpu.sync_copy(a_hbm, scal_v.at[pl.ds(8, 1)])
    pltpu.sync_copy(s_hbm, scal_v.at[pl.ds(24, 1)])
    pltpu.sync_copy(d_hbm, scal_v.at[pl.ds(40, 1)])
    _sincos_table(scal_v, table_v)

    @pl.loop(0, UPW - 1, step=2)
    def _g(g):
        for b in range(2):
            n = g + b
            drain_in(b)

            @pl.when(n >= 2)
            def _do(b=b):
                drain_out(b)

            compute(b)
            start_out(n, b)

            @pl.when(n + 2 < UPW)
            def _di(n=n, b=b):
                start_in(n + 2, b)

    drain_in(0)
    drain_out(0)
    compute(0)
    start_out(UPW - 1, 0)
    drain_out(1)
    drain_out(0)


def kernel(tokens, arc_A, arc_start, arc_stride):
    tok_flat = (
        tokens.T.reshape(JB, 8, IB, 128).transpose(0, 2, 1, 3).reshape(-1))
    sc = pl.kernel(
        _sc_body,
        out_type=jax.ShapeDtypeStruct((COLS, IB, 2, 128), jnp.float32),
        mesh=plsc.VectorSubcoreMesh(core_axis_name="c", subcore_axis_name="s"),
        compiler_params=pltpu.CompilerParams(needs_layout_passes=False),
        scratch_types=[
            pltpu.VMEM((48,), jnp.float32),
            pltpu.VMEM((32,), jnp.float32),
            pltpu.VMEM((U_TOK,), jnp.int32),
            pltpu.VMEM((U_TOK,), jnp.int32),
            pltpu.VMEM((8, IBB, 2, 128), jnp.float32),
            pltpu.VMEM((8, IBB, 2, 128), jnp.float32),
            pltpu.SemaphoreType.DMA,
            pltpu.SemaphoreType.DMA,
            pltpu.SemaphoreType.DMA,
            pltpu.SemaphoreType.DMA,
        ],
    )
    out = sc(arc_A.reshape(1), arc_start.reshape(1), arc_stride.reshape(1),
             tok_flat)
    return out.transpose(1, 3, 0, 2).reshape(ROWS, COLS, 2)

# --- scband reference (transcript-rebuilt; emitter-appended) ---
"""Pipeline reference for scband-circular-arc-embedding-18700287607336 (READ-ONLY COPY).

The authoritative reference and input builder live on the scoring server;
editing this copy changes nothing except your own understanding.
"""

import jax, jax.numpy as jnp
import numpy as np


def setup_inputs(seed: int = 0) -> dict:
    key = jax.random.key(seed)
    tokens = jax.random.randint(key, (16384, 200), 0, 10)
    arc_A = jnp.asarray(2.5, dtype=jnp.float32)
    arc_start = jnp.asarray(-1.2, dtype=jnp.float32)
    arc_stride = jnp.asarray(0.29, dtype=jnp.float32)
    return {"tokens": tokens, "arc_A": arc_A, "arc_start": arc_start, "arc_stride": arc_stride}


def reference(tokens, arc_A, arc_start, arc_stride):
    d = jnp.arange(10, dtype=arc_A.dtype)
    angles = arc_start + d * arc_stride
    table = jnp.stack([arc_A * jnp.cos(angles), arc_A * jnp.sin(angles)], axis=1)
    return jnp.take(table, tokens, axis=0)

if __name__ == "__main__":
    import jax
    _d = setup_inputs()
    print(jax.jit(kernel)(*tuple(_d.values())))

</pallas_src>

<mosaic_0001>
#map = affine_map<(d0, d1) -> (0)>
#map1 = affine_map<(d0, d1) -> (0, 0, 0, 0)>
module attributes {stable_mosaic.version = 14 : i64} {
  func.func @_sc_body(%arg0: i32, %arg1: i32, %arg2: memref<1xf32, #tpu.memory_space<hbm>>, %arg3: memref<1xf32, #tpu.memory_space<hbm>>, %arg4: memref<1xf32, #tpu.memory_space<hbm>>, %arg5: memref<3276800xi32, #tpu.memory_space<hbm>>, %arg6: memref<200x128x2x128xf32, #tpu.memory_space<hbm>>, %arg7: memref<48xf32, #tpu.memory_space<vmem>>, %arg8: memref<32xf32, #tpu.memory_space<vmem>>, %arg9: memref<4096xi32, #tpu.memory_space<vmem>>, %arg10: memref<4096xi32, #tpu.memory_space<vmem>>, %arg11: memref<8x4x2x128xf32, #tpu.memory_space<vmem>>, %arg12: memref<8x4x2x128xf32, #tpu.memory_space<vmem>>, %arg13: memref<!tpu.dma_semaphore, #tpu.memory_space<semaphore_mem>>, %arg14: memref<!tpu.dma_semaphore, #tpu.memory_space<semaphore_mem>>, %arg15: memref<!tpu.dma_semaphore, #tpu.memory_space<semaphore_mem>>, %arg16: memref<!tpu.dma_semaphore, #tpu.memory_space<semaphore_mem>>) attributes {dimension_semantics = [#tpu.dimension_semantics<core_parallel>, #tpu.dimension_semantics<subcore_parallel>], iteration_bounds = array<i64: 2, 16>, scalar_prefetch = 0 : i64, scratch_operands = 10 : i64, tpu.core_type = #tpu.core_type<sc_vector_subcore>, window_params = [{transform_indices = #map}, {transform_indices = #map}, {transform_indices = #map}, {transform_indices = #map}, {transform_indices = #map1}]} {
    %mul3A = arith.constant 2 : i32
    %mul3A_0 = arith.muli %arg1, %mul3A : i32
    %add3A = arith.addi %mul3A_0, %arg0 : i32
    %mul3A_1 = arith.constant 25 : i32
    %mul3A_2 = arith.muli %add3A, %mul3A_1 : i32
    %add3A_3 = arith.constant 0 : i32
    %add3A_4 = arith.addi %mul3A_2, %add3A_3 : i32
    %shift_right_arithmetic3A = arith.constant 5 : i32
    %shift_right_arithmetic3A_5 = arith.shrsi %add3A_4, %shift_right_arithmetic3A : i32
    %and3A = arith.constant 31 : i32
    %and3A_6 = arith.andi %add3A_4, %and3A : i32
    %mul3A_7 = arith.constant 131072 : i32
    %mul3A_8 = arith.muli %shift_right_arithmetic3A_5, %mul3A_7 : i32
    %mul3A_9 = arith.constant 4096 : i32
    %mul3A_10 = arith.muli %and3A_6, %mul3A_9 : i32
    %add3A_11 = arith.addi %mul3A_8, %mul3A_10 : i32
    %dma_start3A = tpu.memref_slice %arg5[%add3A_11] : memref<3276800xi32, #tpu.memory_space<hbm>> -> memref<4096xi32, #tpu.memory_space<hbm>>
    %dma_start3A_12 = tpu.memref_slice %arg5[%add3A_11] : memref<3276800xi32, #tpu.memory_space<hbm>> -> memref<4096xi32, #tpu.memory_space<hbm>>
    tpu.enqueue_dma source(%dma_start3A_12 : memref<4096xi32, #tpu.memory_space<hbm>>) target(%arg9 : memref<4096xi32, #tpu.memory_space<vmem>>) target_semaphore(%arg13 : memref<!tpu.dma_semaphore, #tpu.memory_space<semaphore_mem>>)
    %add3A_13 = arith.constant 1 : i32
    %add3A_14 = arith.addi %mul3A_2, %add3A_13 : i32
    %shift_right_arithmetic3A_15 = arith.constant 5 : i32
    %shift_right_arithmetic3A_16 = arith.shrsi %add3A_14, %shift_right_arithmetic3A_15 : i32
    %and3A_17 = arith.constant 31 : i32
    %and3A_18 = arith.andi %add3A_14, %and3A_17 : i32
    %mul3A_19 = arith.constant 131072 : i32
    %mul3A_20 = arith.muli %shift_right_arithmetic3A_16, %mul3A_19 : i32
    %mul3A_21 = arith.constant 4096 : i32
    %mul3A_22 = arith.muli %and3A_18, %mul3A_21 : i32
    %add3A_23 = arith.addi %mul3A_20, %mul3A_22 : i32
    %dma_start3A_24 = tpu.memref_slice %arg5[%add3A_23] : memref<3276800xi32, #tpu.memory_space<hbm>> -> memref<4096xi32, #tpu.memory_space<hbm>>
    %dma_start3A_25 = tpu.memref_slice %arg5[%add3A_23] : memref<3276800xi32, #tpu.memory_space<hbm>> -> memref<4096xi32, #tpu.memory_space<hbm>>
    tpu.enqueue_dma source(%dma_start3A_25 : memref<4096xi32, #tpu.memory_space<hbm>>) target(%arg10 : memref<4096xi32, #tpu.memory_space<vmem>>) target_semaphore(%arg14 : memref<!tpu.dma_semaphore, #tpu.memory_space<semaphore_mem>>)
    "tpu.region"() ({
      %run_scoped3A = tpu.sem_alloc : memref<!tpu.dma_semaphore, #tpu.memory_space<semaphore_mem>>
      %dma_start3A_191 = arith.constant 8 : i32
      %dma_start3A_192 = tpu.memref_slice %arg7[%dma_start3A_191] : memref<48xf32, #tpu.memory_space<vmem>> -> memref<1xf32, #tpu.memory_space<vmem>>
      %dma_start3A_193 = arith.constant 8 : i32
      %dma_start3A_194 = tpu.memref_slice %arg7[%dma_start3A_193] : memref<48xf32, #tpu.memory_space<vmem>> -> memref<1xf32, #tpu.memory_space<vmem>>
      tpu.enqueue_dma source(%arg2 : memref<1xf32, #tpu.memory_space<hbm>>) target(%dma_start3A_194 : memref<1xf32, #tpu.memory_space<vmem>>) target_semaphore(%run_scoped3A : memref<!tpu.dma_semaphore, #tpu.memory_space<semaphore_mem>>)
      %dma_wait3A_195 = arith.constant 8 : i32
      %dma_wait3A_196 = tpu.memref_slice %arg7[%dma_wait3A_195] : memref<48xf32, #tpu.memory_space<vmem>> -> memref<1xf32, #tpu.memory_space<vmem>>
      %dma_wait3A_197 = arith.constant 8 : i32
      %dma_wait3A_198 = tpu.memref_slice %arg7[%dma_wait3A_197] : memref<48xf32, #tpu.memory_space<vmem>> -> memref<1xf32, #tpu.memory_space<vmem>>
      tpu.wait_dma2 semaphore(%run_scoped3A : memref<!tpu.dma_semaphore, #tpu.memory_space<semaphore_mem>>) src(%arg2 : memref<1xf32, #tpu.memory_space<hbm>>) dst(%dma_wait3A_198 : memref<1xf32, #tpu.memory_space<vmem>>)
      tpu.yield
    }) : () -> ()
    "tpu.region"() ({
      %run_scoped3A = tpu.sem_alloc : memref<!tpu.dma_semaphore, #tpu.memory_space<semaphore_mem>>
      %dma_start3A_191 = arith.constant 24 : i32
      %dma_start3A_192 = tpu.memref_slice %arg7[%dma_start3A_191] : memref<48xf32, #tpu.memory_space<vmem>> -> memref<1xf32, #tpu.memory_space<vmem>>
      %dma_start3A_193 = arith.constant 24 : i32
      %dma_start3A_194 = tpu.memref_slice %arg7[%dma_start3A_193] : memref<48xf32, #tpu.memory_space<vmem>> -> memref<1xf32, #tpu.memory_space<vmem>>
      tpu.enqueue_dma source(%arg3 : memref<1xf32, #tpu.memory_space<hbm>>) target(%dma_start3A_194 : memref<1xf32, #tpu.memory_space<vmem>>) target_semaphore(%run_scoped3A : memref<!tpu.dma_semaphore, #tpu.memory_space<semaphore_mem>>)
      %dma_wait3A_195 = arith.constant 24 : i32
      %dma_wait3A_196 = tpu.memref_slice %arg7[%dma_wait3A_195] : memref<48xf32, #tpu.memory_space<vmem>> -> memref<1xf32, #tpu.memory_space<vmem>>
      %dma_wait3A_197 = arith.constant 24 : i32
      %dma_wait3A_198 = tpu.memref_slice %arg7[%dma_wait3A_197] : memref<48xf32, #tpu.memory_space<vmem>> -> memref<1xf32, #tpu.memory_space<vmem>>
      tpu.wait_dma2 semaphore(%run_scoped3A : memref<!tpu.dma_semaphore, #tpu.memory_space<semaphore_mem>>) src(%arg3 : memref<1xf32, #tpu.memory_space<hbm>>) dst(%dma_wait3A_198 : memref<1xf32, #tpu.memory_space<vmem>>)
      tpu.yield
    }) : () -> ()
    "tpu.region"() ({
      %run_scoped3A = tpu.sem_alloc : memref<!tpu.dma_semaphore, #tpu.memory_space<semaphore_mem>>
      %dma_start3A_191 = arith.constant 40 : i32
      %dma_start3A_192 = tpu.memref_slice %arg7[%dma_start3A_191] : memref<48xf32, #tpu.memory_space<vmem>> -> memref<1xf32, #tpu.memory_space<vmem>>
      %dma_start3A_193 = arith.constant 40 : i32
      %dma_start3A_194 = tpu.memref_slice %arg7[%dma_start3A_193] : memref<48xf32, #tpu.memory_space<vmem>> -> memref<1xf32, #tpu.memory_space<vmem>>
      tpu.enqueue_dma source(%arg4 : memref<1xf32, #tpu.memory_space<hbm>>) target(%dma_start3A_194 : memref<1xf32, #tpu.memory_space<vmem>>) target_semaphore(%run_scoped3A : memref<!tpu.dma_semaphore, #tpu.memory_space<semaphore_mem>>)
      %dma_wait3A_195 = arith.constant 40 : i32
      %dma_wait3A_196 = tpu.memref_slice %arg7[%dma_wait3A_195] : memref<48xf32, #tpu.memory_space<vmem>> -> memref<1xf32, #tpu.memory_space<vmem>>
      %dma_wait3A_197 = arith.constant 40 : i32
      %dma_wait3A_198 = tpu.memref_slice %arg7[%dma_wait3A_197] : memref<48xf32, #tpu.memory_space<vmem>> -> memref<1xf32, #tpu.memory_space<vmem>>
      tpu.wait_dma2 semaphore(%run_scoped3A : memref<!tpu.dma_semaphore, #tpu.memory_space<semaphore_mem>>) src(%arg4 : memref<1xf32, #tpu.memory_space<hbm>>) dst(%dma_wait3A_198 : memref<1xf32, #tpu.memory_space<vmem>>)
      tpu.yield
    }) : () -> ()
    %broadcast_in_dim3A = arith.constant 0 : i32
    %broadcast_in_dim3A_26 = vector.broadcast %broadcast_in_dim3A : i32 to vector<16xi32>
    %add3A_27 = arith.constant 8 : i32
    %add3A_28 = vector.broadcast %add3A_27 : i32 to vector<16xi32>
    %add3A_29 = arith.addi %broadcast_in_dim3A_26, %add3A_28 : vector<16xi32>
    %gather3A = tpu.vector_load_idx %arg7[%add3A_29] : memref<48xf32, #tpu.memory_space<vmem>>[vector<16xi32>], vector<16xf32>,
    %add3A_30 = arith.constant 24 : i32
    %add3A_31 = vector.broadcast %add3A_30 : i32 to vector<16xi32>
    %add3A_32 = arith.addi %broadcast_in_dim3A_26, %add3A_31 : vector<16xi32>
    %gather3A_33 = tpu.vector_load_idx %arg7[%add3A_32] : memref<48xf32, #tpu.memory_space<vmem>>[vector<16xi32>], vector<16xf32>,
    %add3A_34 = arith.constant 40 : i32
    %add3A_35 = vector.broadcast %add3A_34 : i32 to vector<16xi32>
    %add3A_36 = arith.addi %broadcast_in_dim3A_26, %add3A_35 : vector<16xi32>
    %gather3A_37 = tpu.vector_load_idx %arg7[%add3A_36] : memref<48xf32, #tpu.memory_space<vmem>>[vector<16xi32>], vector<16xf32>,
    %iota3A = tpu.iota {dimensions = array<i32: 0>} : vector<16xi32>
    %convert_element_type3A = arith.sitofp %iota3A : vector<16xi32> to vector<16xf32>
    %mul3A_38 = arith.mulf %convert_element_type3A, %gather3A_37 : vector<16xf32>
    %add3A_39 = arith.addf %gather3A_33, %mul3A_38 : vector<16xf32>
    %mul3A_40 = arith.constant 0.636619746 : f32
    %mul3A_41 = vector.broadcast %mul3A_40 : f32 to vector<16xf32>
    %mul3A_42 = arith.mulf %add3A_39, %mul3A_41 : vector<16xf32>
    %ge3A = arith.constant 0.000000e+00 : f32
    %ge3A_43 = vector.broadcast %ge3A : f32 to vector<16xf32>
    %ge3A_44 = arith.cmpf oge, %mul3A_42, %ge3A_43 : vector<16xf32>
    %add3A_45 = arith.constant 5.000000e-01 : f32
    %add3A_46 = vector.broadcast %add3A_45 : f32 to vector<16xf32>
    %add3A_47 = arith.addf %mul3A_42, %add3A_46 : vector<16xf32>
    %sub3A = arith.constant 5.000000e-01 : f32
    %sub3A_48 = vector.broadcast %sub3A : f32 to vector<16xf32>
    %sub3A_49 = arith.subf %mul3A_42, %sub3A_48 : vector<16xf32>
    %select_n3A = arith.select %ge3A_44, %add3A_47, %sub3A_49 : vector<16xi1>, vector<16xf32>
    %convert_element_type3A_50 = arith.fptosi %select_n3A : vector<16xf32> to vector<16xi32>
    %convert_element_type3A_51 = arith.sitofp %convert_element_type3A_50 : vector<16xi32> to vector<16xf32>
    %mul3A_52 = arith.constant 1.57078552 : f32
    %mul3A_53 = vector.broadcast %mul3A_52 : f32 to vector<16xf32>
    %mul3A_54 = arith.mulf %convert_element_type3A_51, %mul3A_53 : vector<16xf32>
    %sub3A_55 = arith.subf %add3A_39, %mul3A_54 : vector<16xf32>
    %mul3A_56 = arith.constant 1.08043341E-5 : f32
    %mul3A_57 = vector.broadcast %mul3A_56 : f32 to vector<16xf32>
    %mul3A_58 = arith.mulf %convert_element_type3A_51, %mul3A_57 : vector<16xf32>
    %sub3A_59 = arith.subf %sub3A_55, %mul3A_58 : vector<16xf32>
    %and3A_60 = arith.constant 3 : i32
    %and3A_61 = vector.broadcast %and3A_60 : i32 to vector<16xi32>
    %and3A_62 = arith.andi %convert_element_type3A_50, %and3A_61 : vector<16xi32>
    %mul3A_63 = arith.mulf %sub3A_59, %sub3A_59 : vector<16xf32>
    %mul3A_64 = arith.constant -1.98412701E-4 : f32
    %mul3A_65 = vector.broadcast %mul3A_64 : f32 to vector<16xf32>
    %mul3A_66 = arith.mulf %mul3A_63, %mul3A_65 : vector<16xf32>
    %add3A_67 = arith.constant 0.00833333377 : f32
    %add3A_68 = vector.broadcast %add3A_67 : f32 to vector<16xf32>
    %add3A_69 = arith.addf %add3A_68, %mul3A_66 : vector<16xf32>
    %mul3A_70 = arith.mulf %mul3A_63, %add3A_69 : vector<16xf32>
    %add3A_71 = arith.constant -0.166666672 : f32
    %add3A_72 = vector.broadcast %add3A_71 : f32 to vector<16xf32>
    %add3A_73 = arith.addf %add3A_72, %mul3A_70 : vector<16xf32>
    %mul3A_74 = arith.mulf %mul3A_63, %add3A_73 : vector<16xf32>
    %add3A_75 = arith.constant 1.000000e+00 : f32
    %add3A_76 = vector.broadcast %add3A_75 : f32 to vector<16xf32>
    %add3A_77 = arith.addf %add3A_76, %mul3A_74 : vector<16xf32>
    %mul3A_78 = arith.mulf %sub3A_59, %add3A_77 : vector<16xf32>
    %mul3A_79 = arith.constant 2.48015876E-5 : f32
    %mul3A_80 = vector.broadcast %mul3A_79 : f32 to vector<16xf32>
    %mul3A_81 = arith.mulf %mul3A_63, %mul3A_80 : vector<16xf32>
    %add3A_82 = arith.constant -0.00138888892 : f32
    %add3A_83 = vector.broadcast %add3A_82 : f32 to vector<16xf32>
    %add3A_84 = arith.addf %add3A_83, %mul3A_81 : vector<16xf32>
    %mul3A_85 = arith.mulf %mul3A_63, %add3A_84 : vector<16xf32>
    %add3A_86 = arith.constant 0.0416666679 : f32
    %add3A_87 = vector.broadcast %add3A_86 : f32 to vector<16xf32>
    %add3A_88 = arith.addf %add3A_87, %mul3A_85 : vector<16xf32>
    %mul3A_89 = arith.mulf %mul3A_63, %add3A_88 : vector<16xf32>
    %add3A_90 = arith.constant -5.000000e-01 : f32
    %add3A_91 = vector.broadcast %add3A_90 : f32 to vector<16xf32>
    %add3A_92 = arith.addf %add3A_91, %mul3A_89 : vector<16xf32>
    %mul3A_93 = arith.mulf %mul3A_63, %add3A_92 : vector<16xf32>
    %add3A_94 = arith.constant 1.000000e+00 : f32
    %add3A_95 = vector.broadcast %add3A_94 : f32 to vector<16xf32>
    %add3A_96 = arith.addf %add3A_95, %mul3A_93 : vector<16xf32>
    %eq3A = arith.constant 0 : i32
    %eq3A_97 = vector.broadcast %eq3A : i32 to vector<16xi32>
    %eq3A_98 = arith.cmpi eq, %and3A_62, %eq3A_97 : vector<16xi32>
    %eq3A_99 = arith.constant 1 : i32
    %eq3A_100 = vector.broadcast %eq3A_99 : i32 to vector<16xi32>
    %eq3A_101 = arith.cmpi eq, %and3A_62, %eq3A_100 : vector<16xi32>
    %neg3A = arith.constant 0.000000e+00 : f32
    %neg3A_102 = vector.broadcast %neg3A : f32 to vector<16xf32>
    %neg3A_103 = arith.subf %neg3A_102, %mul3A_78 : vector<16xf32>
    %eq3A_104 = arith.constant 2 : i32
    %eq3A_105 = vector.broadcast %eq3A_104 : i32 to vector<16xi32>
    %eq3A_106 = arith.cmpi eq, %and3A_62, %eq3A_105 : vector<16xi32>
    %neg3A_107 = arith.constant 0.000000e+00 : f32
    %neg3A_108 = vector.broadcast %neg3A_107 : f32 to vector<16xf32>
    %neg3A_109 = arith.subf %neg3A_108, %add3A_96 : vector<16xf32>
    %select_n3A_110 = arith.select %eq3A_106, %neg3A_109, %mul3A_78 : vector<16xi1>, vector<16xf32>
    %select_n3A_111 = arith.select %eq3A_101, %neg3A_103, %select_n3A_110 : vector<16xi1>, vector<16xf32>
    %select_n3A_112 = arith.select %eq3A_98, %add3A_96, %select_n3A_111 : vector<16xi1>, vector<16xf32>
    %eq3A_113 = arith.constant 0 : i32
    %eq3A_114 = vector.broadcast %eq3A_113 : i32 to vector<16xi32>
    %eq3A_115 = arith.cmpi eq, %and3A_62, %eq3A_114 : vector<16xi32>
    %eq3A_116 = arith.constant 1 : i32
    %eq3A_117 = vector.broadcast %eq3A_116 : i32 to vector<16xi32>
    %eq3A_118 = arith.cmpi eq, %and3A_62, %eq3A_117 : vector<16xi32>
    %eq3A_119 = arith.constant 2 : i32
    %eq3A_120 = vector.broadcast %eq3A_119 : i32 to vector<16xi32>
    %eq3A_121 = arith.cmpi eq, %and3A_62, %eq3A_120 : vector<16xi32>
    %neg3A_122 = arith.constant 0.000000e+00 : f32
    %neg3A_123 = vector.broadcast %neg3A_122 : f32 to vector<16xf32>
    %neg3A_124 = arith.subf %neg3A_123, %mul3A_78 : vector<16xf32>
    %neg3A_125 = arith.constant 0.000000e+00 : f32
    %neg3A_126 = vector.broadcast %neg3A_125 : f32 to vector<16xf32>
    %neg3A_127 = arith.subf %neg3A_126, %add3A_96 : vector<16xf32>
    %select_n3A_128 = arith.select %eq3A_121, %neg3A_124, %neg3A_127 : vector<16xi1>, vector<16xf32>
    %select_n3A_129 = arith.select %eq3A_118, %add3A_96, %select_n3A_128 : vector<16xi1>, vector<16xf32>
    %select_n3A_130 = arith.select %eq3A_115, %mul3A_78, %select_n3A_129 : vector<16xi1>, vector<16xf32>
    %mul3A_131 = arith.mulf %gather3A, %select_n3A_112 : vector<16xf32>
    %swap3A = arith.constant 0 : index
    %swap3A_132 = tpu.vector_load %arg8[%swap3A] {strides = array<i32>} : memref<32xf32, #tpu.memory_space<vmem>>, vector<16xf32>,
    tpu.vector_store %arg8[%swap3A], %mul3A_131 {strides = array<i32>} : memref<32xf32, #tpu.memory_space<vmem>>, vector<16xf32>,
    %mul3A_133 = arith.mulf %gather3A, %select_n3A_130 : vector<16xf32>
    %swap3A_134 = arith.constant 16 : index
    %swap3A_135 = tpu.vector_load %arg8[%swap3A_134] {strides = array<i32>} : memref<32xf32, #tpu.memory_space<vmem>>, vector<16xf32>,
    tpu.vector_store %arg8[%swap3A_134], %mul3A_133 {strides = array<i32>} : memref<32xf32, #tpu.memory_space<vmem>>, vector<16xf32>,
    %scan3A = arith.constant 0 : i32
    %scan3A_136 = arith.constant 12 : i32
    %scan3A_137 = arith.addi %scan3A, %scan3A_136 : i32
    %scan3A_138 = arith.constant 1 : i32
    scf.for %scan3A_191 = %scan3A to %scan3A_137 step %scan3A_138  : i32 {
      %mul3A_192 = arith.constant 2 : i32
      %mul3A_193 = arith.muli %scan3A_191, %mul3A_192 : i32
      %add3A_194 = arith.constant 0 : i32
      %add3A_195 = arith.addi %add3A_194, %mul3A_193 : i32
      %add3A_196 = arith.constant 0 : i32
      %add3A_197 = arith.addi %add3A_195, %add3A_196 : i32
      %dma_wait3A_198 = arith.constant 0 : i32
      %dma_wait3A_199 = tpu.memref_slice %arg5[%dma_wait3A_198] : memref<3276800xi32, #tpu.memory_space<hbm>> -> memref<4096xi32, #tpu.memory_space<hbm>>
      %dma_wait3A_200 = arith.constant 0 : i32
      %dma_wait3A_201 = tpu.memref_slice %arg5[%dma_wait3A_200] : memref<3276800xi32, #tpu.memory_space<hbm>> -> memref<4096xi32, #tpu.memory_space<hbm>>
      tpu.wait_dma2 semaphore(%arg13 : memref<!tpu.dma_semaphore, #tpu.memory_space<semaphore_mem>>) src(%dma_wait3A_201 : memref<4096xi32, #tpu.memory_space<hbm>>) dst(%arg9 : memref<4096xi32, #tpu.memory_space<vmem>>)
      %ge3A_202 = arith.constant 2 : i32
      %ge3A_203 = arith.cmpi sge, %add3A_197, %ge3A_202 : i32
      %convert_element_type3A_204 = arith.extui %ge3A_203 : i1 to i32
      %cond3A = arith.constant 0 : i32
      %cond3A_205 = arith.cmpi ne, %convert_element_type3A_204, %cond3A : i32
      scf.if %cond3A_205 {
        %dma_wait3A_266 = arith.constant 0 : i32
        %dma_wait3A_267 = arith.constant 0 : i32
        %dma_wait3A_268 = arith.constant 0 : i32
        %dma_wait3A_269 = arith.constant 0 : i32
        %dma_wait3A_270 = tpu.memref_slice %arg6[%dma_wait3A_266, %dma_wait3A_267, %dma_wait3A_268, %dma_wait3A_269] : memref<200x128x2x128xf32, #tpu.memory_space<hbm>> -> memref<8x4x2x128xf32, #tpu.memory_space<hbm>>
        %dma_wait3A_271 = arith.constant 0 : i32
        %dma_wait3A_272 = arith.constant 0 : i32
        %dma_wait3A_273 = arith.constant 0 : i32
        %dma_wait3A_274 = arith.constant 0 : i32
        %dma_wait3A_275 = tpu.memref_slice %arg6[%dma_wait3A_271, %dma_wait3A_272, %dma_wait3A_273, %dma_wait3A_274] : memref<200x128x2x128xf32, #tpu.memory_space<hbm>> -> memref<8x4x2x128xf32, #tpu.memory_space<hbm>>
        tpu.wait_dma2 semaphore(%arg15 : memref<!tpu.dma_semaphore, #tpu.memory_space<semaphore_mem>>) src(%dma_wait3A_275 : memref<8x4x2x128xf32, #tpu.memory_space<hbm>>) dst(%arg11 : memref<8x4x2x128xf32, #tpu.memory_space<vmem>>)
      } else {
      }
      %parallel_loop3A_206 = arith.constant 0 : i32
      %parallel_loop3A_207 = arith.constant 256 : i32
      %parallel_loop3A_208 = arith.constant 1 : i32
      scf.for %parallel_loop3A_266 = %parallel_loop3A_206 to %parallel_loop3A_207 step %parallel_loop3A_208  : i32 {
        %parallel_loop3A_267 = arith.constant 5 : i32
        %parallel_loop3A_268 = arith.shrsi %parallel_loop3A_266, %parallel_loop3A_267 : i32
        %parallel_loop3A_269 = arith.constant 3 : i32
        %parallel_loop3A_270 = arith.shrsi %parallel_loop3A_266, %parallel_loop3A_269 : i32
        %parallel_loop3A_271 = arith.constant 3 : i32
        %parallel_loop3A_272 = arith.andi %parallel_loop3A_270, %parallel_loop3A_271 : i32
        %parallel_loop3A_273 = arith.constant 7 : i32
        %parallel_loop3A_274 = arith.andi %parallel_loop3A_266, %parallel_loop3A_273 : i32
        %parallel_loop3A_275 = arith.constant 1024 : i32
        %parallel_loop3A_276 = arith.muli %parallel_loop3A_272, %parallel_loop3A_275 : i32
        %parallel_loop3A_277 = arith.constant 128 : i32
        %parallel_loop3A_278 = arith.muli %parallel_loop3A_268, %parallel_loop3A_277 : i32
        %parallel_loop3A_279 = arith.addi %parallel_loop3A_276, %parallel_loop3A_278 : i32
        %parallel_loop3A_280 = arith.constant 16 : i32
        %parallel_loop3A_281 = arith.muli %parallel_loop3A_274, %parallel_loop3A_280 : i32
        %parallel_loop3A_282 = arith.addi %parallel_loop3A_279, %parallel_loop3A_281 : i32
        %parallel_loop3A_283 = arith.constant 16 : i32
        %parallel_loop3A_284 = arith.muli %parallel_loop3A_274, %parallel_loop3A_283 : i32
        %parallel_loop3A_285 = arith.index_cast %parallel_loop3A_282 : i32 to index
        %parallel_loop3A_286 = tpu.vector_load %arg9[%parallel_loop3A_285] {strides = array<i32>} : memref<4096xi32, #tpu.memory_space<vmem>>, vector<16xi32>,
        %parallel_loop3A_287 = tpu.vector_load_idx %arg8[%parallel_loop3A_286] : memref<32xf32, #tpu.memory_space<vmem>>[vector<16xi32>], vector<16xf32>,
        %parallel_loop3A_288 = arith.constant 0 : i32
        %parallel_loop3A_289 = arith.index_cast %parallel_loop3A_268 : i32 to index
        %parallel_loop3A_290 = arith.index_cast %parallel_loop3A_272 : i32 to index
        %parallel_loop3A_291 = arith.index_cast %parallel_loop3A_288 : i32 to index
        %parallel_loop3A_292 = arith.index_cast %parallel_loop3A_284 : i32 to index
        %parallel_loop3A_293 = tpu.vector_load %arg11[%parallel_loop3A_289, %parallel_loop3A_290, %parallel_loop3A_291, %parallel_loop3A_292] {strides = array<i32>} : memref<8x4x2x128xf32, #tpu.memory_space<vmem>>, vector<16xf32>,
        tpu.vector_store %arg11[%parallel_loop3A_289, %parallel_loop3A_290, %parallel_loop3A_291, %parallel_loop3A_292], %parallel_loop3A_287 {strides = array<i32>} : memref<8x4x2x128xf32, #tpu.memory_space<vmem>>, vector<16xf32>,
        %parallel_loop3A_294 = arith.constant 16 : i32
        %parallel_loop3A_295 = vector.broadcast %parallel_loop3A_294 : i32 to vector<16xi32>
        %parallel_loop3A_296 = arith.addi %parallel_loop3A_286, %parallel_loop3A_295 : vector<16xi32>
        %parallel_loop3A_297 = tpu.vector_load_idx %arg8[%parallel_loop3A_296] : memref<32xf32, #tpu.memory_space<vmem>>[vector<16xi32>], vector<16xf32>,
        %parallel_loop3A_298 = arith.constant 1 : i32
        %parallel_loop3A_299 = arith.index_cast %parallel_loop3A_268 : i32 to index
        %parallel_loop3A_300 = arith.index_cast %parallel_loop3A_272 : i32 to index
        %parallel_loop3A_301 = arith.index_cast %parallel_loop3A_298 : i32 to index
        %parallel_loop3A_302 = arith.index_cast %parallel_loop3A_284 : i32 to index
        %parallel_loop3A_303 = tpu.vector_load %arg11[%parallel_loop3A_299, %parallel_loop3A_300, %parallel_loop3A_301, %parallel_loop3A_302] {strides = array<i32>} : memref<8x4x2x128xf32, #tpu.memory_space<vmem>>, vector<16xf32>,
        tpu.vector_store %arg11[%parallel_loop3A_299, %parallel_loop3A_300, %parallel_loop3A_301, %parallel_loop3A_302], %parallel_loop3A_297 {strides = array<i32>} : memref<8x4x2x128xf32, #tpu.memory_space<vmem>>, vector<16xf32>,
      } {sc.loop_unroll_factor = 8 : i64, sc.parallel_access}
      %add3A_209 = arith.addi %mul3A_2, %add3A_197 : i32
      %shift_right_arithmetic3A_210 = arith.constant 5 : i32
      %shift_right_arithmetic3A_211 = arith.shrsi %add3A_209, %shift_right_arithmetic3A_210 : i32
      %and3A_212 = arith.constant 31 : i32
      %and3A_213 = arith.andi %add3A_209, %and3A_212 : i32
      %mul3A_214 = arith.constant 8 : i32
      %mul3A_215 = arith.muli %shift_right_arithmetic3A_211, %mul3A_214 : i32
      %mul3A_216 = arith.constant 4 : i32
      %mul3A_217 = arith.muli %and3A_213, %mul3A_216 : i32
      %dma_start3A_218 = arith.constant 0 : i32
      %dma_start3A_219 = arith.constant 0 : i32
      %dma_start3A_220 = tpu.memref_slice %arg6[%mul3A_215, %mul3A_217, %dma_start3A_218, %dma_start3A_219] : memref<200x128x2x128xf32, #tpu.memory_space<hbm>> -> memref<8x4x2x128xf32, #tpu.memory_space<hbm>>
      %dma_start3A_221 = arith.constant 0 : i32
      %dma_start3A_222 = arith.constant 0 : i32
      %dma_start3A_223 = tpu.memref_slice %arg6[%mul3A_215, %mul3A_217, %dma_start3A_221, %dma_start3A_222] : memref<200x128x2x128xf32, #tpu.memory_space<hbm>> -> memref<8x4x2x128xf32, #tpu.memory_space<hbm>>
      tpu.enqueue_dma source(%arg11 : memref<8x4x2x128xf32, #tpu.memory_space<vmem>>) target(%dma_start3A_223 : memref<8x4x2x128xf32, #tpu.memory_space<hbm>>) target_semaphore(%arg15 : memref<!tpu.dma_semaphore, #tpu.memory_space<semaphore_mem>>)
      %add3A_224 = arith.constant 2 : i32
      %add3A_225 = arith.addi %add3A_197, %add3A_224 : i32
      %lt3A = arith.constant 25 : i32
      %lt3A_226 = arith.cmpi slt, %add3A_225, %lt3A : i32
      %convert_element_type3A_227 = arith.extui %lt3A_226 : i1 to i32
      %cond3A_228 = arith.constant 0 : i32
      %cond3A_229 = arith.cmpi ne, %convert_element_type3A_227, %cond3A_228 : i32
      scf.if %cond3A_229 {
        %add3A_266 = arith.constant 2 : i32
        %add3A_267 = arith.addi %add3A_197, %add3A_266 : i32
        %add3A_268 = arith.addi %mul3A_2, %add3A_267 : i32
        %shift_right_arithmetic3A_269 = arith.constant 5 : i32
        %shift_right_arithmetic3A_270 = arith.shrsi %add3A_268, %shift_right_arithmetic3A_269 : i32
        %and3A_271 = arith.constant 31 : i32
        %and3A_272 = arith.andi %add3A_268, %and3A_271 : i32
        %mul3A_273 = arith.constant 131072 : i32
        %mul3A_274 = arith.muli %shift_right_arithmetic3A_270, %mul3A_273 : i32
        %mul3A_275 = arith.constant 4096 : i32
        %mul3A_276 = arith.muli %and3A_272, %mul3A_275 : i32
        %add3A_277 = arith.addi %mul3A_274, %mul3A_276 : i32
        %dma_start3A_278 = tpu.memref_slice %arg5[%add3A_277] : memref<3276800xi32, #tpu.memory_space<hbm>> -> memref<4096xi32, #tpu.memory_space<hbm>>
        %dma_start3A_279 = tpu.memref_slice %arg5[%add3A_277] : memref<3276800xi32, #tpu.memory_space<hbm>> -> memref<4096xi32, #tpu.memory_space<hbm>>
        tpu.enqueue_dma source(%dma_start3A_279 : memref<4096xi32, #tpu.memory_space<hbm>>) target(%arg9 : memref<4096xi32, #tpu.memory_space<vmem>>) target_semaphore(%arg13 : memref<!tpu.dma_semaphore, #tpu.memory_space<semaphore_mem>>)
      } else {
      }
      %add3A_230 = arith.constant 1 : i32
      %add3A_231 = arith.addi %add3A_195, %add3A_230 : i32
      %dma_wait3A_232 = arith.constant 0 : i32
      %dma_wait3A_233 = tpu.memref_slice %arg5[%dma_wait3A_232] : memref<3276800xi32, #tpu.memory_space<hbm>> -> memref<4096xi32, #tpu.memory_space<hbm>>
      %dma_wait3A_234 = arith.constant 0 : i32
      %dma_wait3A_235 = tpu.memref_slice %arg5[%dma_wait3A_234] : memref<3276800xi32, #tpu.memory_space<hbm>> -> memref<4096xi32, #tpu.memory_space<hbm>>
      tpu.wait_dma2 semaphore(%arg14 : memref<!tpu.dma_semaphore, #tpu.memory_space<semaphore_mem>>) src(%dma_wait3A_235 : memref<4096xi32, #tpu.memory_space<hbm>>) dst(%arg10 : memref<4096xi32, #tpu.memory_space<vmem>>)
      %ge3A_236 = arith.constant 2 : i32
      %ge3A_237 = arith.cmpi sge, %add3A_231, %ge3A_236 : i32
      %convert_element_type3A_238 = arith.extui %ge3A_237 : i1 to i32
      %cond3A_239 = arith.constant 0 : i32
      %cond3A_240 = arith.cmpi ne, %convert_element_type3A_238, %cond3A_239 : i32
      scf.if %cond3A_240 {
        %dma_wait3A_266 = arith.constant 0 : i32
        %dma_wait3A_267 = arith.constant 0 : i32
        %dma_wait3A_268 = arith.constant 0 : i32
        %dma_wait3A_269 = arith.constant 0 : i32
        %dma_wait3A_270 = tpu.memref_slice %arg6[%dma_wait3A_266, %dma_wait3A_267, %dma_wait3A_268, %dma_wait3A_269] : memref<200x128x2x128xf32, #tpu.memory_space<hbm>> -> memref<8x4x2x128xf32, #tpu.memory_space<hbm>>
        %dma_wait3A_271 = arith.constant 0 : i32
        %dma_wait3A_272 = arith.constant 0 : i32
        %dma_wait3A_273 = arith.constant 0 : i32
        %dma_wait3A_274 = arith.constant 0 : i32
        %dma_wait3A_275 = tpu.memref_slice %arg6[%dma_wait3A_271, %dma_wait3A_272, %dma_wait3A_273, %dma_wait3A_274] : memref<200x128x2x128xf32, #tpu.memory_space<hbm>> -> memref<8x4x2x128xf32, #tpu.memory_space<hbm>>
        tpu.wait_dma2 semaphore(%arg16 : memref<!tpu.dma_semaphore, #tpu.memory_space<semaphore_mem>>) src(%dma_wait3A_275 : memref<8x4x2x128xf32, #tpu.memory_space<hbm>>) dst(%arg12 : memref<8x4x2x128xf32, #tpu.memory_space<vmem>>)
      } else {
      }
      %parallel_loop3A_241 = arith.constant 0 : i32
      %parallel_loop3A_242 = arith.constant 256 : i32
      %parallel_loop3A_243 = arith.constant 1 : i32
      scf.for %parallel_loop3A_266 = %parallel_loop3A_241 to %parallel_loop3A_242 step %parallel_loop3A_243  : i32 {
        %parallel_loop3A_267 = arith.constant 5 : i32
        %parallel_loop3A_268 = arith.shrsi %parallel_loop3A_266, %parallel_loop3A_267 : i32
        %parallel_loop3A_269 = arith.constant 3 : i32
        %parallel_loop3A_270 = arith.shrsi %parallel_loop3A_266, %parallel_loop3A_269 : i32
        %parallel_loop3A_271 = arith.constant 3 : i32
        %parallel_loop3A_272 = arith.andi %parallel_loop3A_270, %parallel_loop3A_271 : i32
        %parallel_loop3A_273 = arith.constant 7 : i32
        %parallel_loop3A_274 = arith.andi %parallel_loop3A_266, %parallel_loop3A_273 : i32
        %parallel_loop3A_275 = arith.constant 1024 : i32
        %parallel_loop3A_276 = arith.muli %parallel_loop3A_272, %parallel_loop3A_275 : i32
        %parallel_loop3A_277 = arith.constant 128 : i32
        %parallel_loop3A_278 = arith.muli %parallel_loop3A_268, %parallel_loop3A_277 : i32
        %parallel_loop3A_279 = arith.addi %parallel_loop3A_276, %parallel_loop3A_278 : i32
        %parallel_loop3A_280 = arith.constant 16 : i32
        %parallel_loop3A_281 = arith.muli %parallel_loop3A_274, %parallel_loop3A_280 : i32
        %parallel_loop3A_282 = arith.addi %parallel_loop3A_279, %parallel_loop3A_281 : i32
        %parallel_loop3A_283 = arith.constant 16 : i32
        %parallel_loop3A_284 = arith.muli %parallel_loop3A_274, %parallel_loop3A_283 : i32
        %parallel_loop3A_285 = arith.index_cast %parallel_loop3A_282 : i32 to index
        %parallel_loop3A_286 = tpu.vector_load %arg10[%parallel_loop3A_285] {strides = array<i32>} : memref<4096xi32, #tpu.memory_space<vmem>>, vector<16xi32>,
        %parallel_loop3A_287 = tpu.vector_load_idx %arg8[%parallel_loop3A_286] : memref<32xf32, #tpu.memory_space<vmem>>[vector<16xi32>], vector<16xf32>,
        %parallel_loop3A_288 = arith.constant 0 : i32
        %parallel_loop3A_289 = arith.index_cast %parallel_loop3A_268 : i32 to index
        %parallel_loop3A_290 = arith.index_cast %parallel_loop3A_272 : i32 to index
        %parallel_loop3A_291 = arith.index_cast %parallel_loop3A_288 : i32 to index
        %parallel_loop3A_292 = arith.index_cast %parallel_loop3A_284 : i32 to index
        %parallel_loop3A_293 = tpu.vector_load %arg12[%parallel_loop3A_289, %parallel_loop3A_290, %parallel_loop3A_291, %parallel_loop3A_292] {strides = array<i32>} : memref<8x4x2x128xf32, #tpu.memory_space<vmem>>, vector<16xf32>,
        tpu.vector_store %arg12[%parallel_loop3A_289, %parallel_loop3A_290, %parallel_loop3A_291, %parallel_loop3A_292], %parallel_loop3A_287 {strides = array<i32>} : memref<8x4x2x128xf32, #tpu.memory_space<vmem>>, vector<16xf32>,
        %parallel_loop3A_294 = arith.constant 16 : i32
        %parallel_loop3A_295 = vector.broadcast %parallel_loop3A_294 : i32 to vector<16xi32>
        %parallel_loop3A_296 = arith.addi %parallel_loop3A_286, %parallel_loop3A_295 : vector<16xi32>
        %parallel_loop3A_297 = tpu.vector_load_idx %arg8[%parallel_loop3A_296] : memref<32xf32, #tpu.memory_space<vmem>>[vector<16xi32>], vector<16xf32>,
        %parallel_loop3A_298 = arith.constant 1 : i32
        %parallel_loop3A_299 = arith.index_cast %parallel_loop3A_268 : i32 to index
        %parallel_loop3A_300 = arith.index_cast %parallel_loop3A_272 : i32 to index
        %parallel_loop3A_301 = arith.index_cast %parallel_loop3A_298 : i32 to index
        %parallel_loop3A_302 = arith.index_cast %parallel_loop3A_284 : i32 to index
        %parallel_loop3A_303 = tpu.vector_load %arg12[%parallel_loop3A_299, %parallel_loop3A_300, %parallel_loop3A_301, %parallel_loop3A_302] {strides = array<i32>} : memref<8x4x2x128xf32, #tpu.memory_space<vmem>>, vector<16xf32>,
        tpu.vector_store %arg12[%parallel_loop3A_299, %parallel_loop3A_300, %parallel_loop3A_301, %parallel_loop3A_302], %parallel_loop3A_297 {strides = array<i32>} : memref<8x4x2x128xf32, #tpu.memory_space<vmem>>, vector<16xf32>,
      } {sc.loop_unroll_factor = 8 : i64, sc.parallel_access}
      %add3A_244 = arith.addi %mul3A_2, %add3A_231 : i32
      %shift_right_arithmetic3A_245 = arith.constant 5 : i32
      %shift_right_arithmetic3A_246 = arith.shrsi %add3A_244, %shift_right_arithmetic3A_245 : i32
      %and3A_247 = arith.constant 31 : i32
      %and3A_248 = arith.andi %add3A_244, %and3A_247 : i32
      %mul3A_249 = arith.constant 8 : i32
      %mul3A_250 = arith.muli %shift_right_arithmetic3A_246, %mul3A_249 : i32
      %mul3A_251 = arith.constant 4 : i32
      %mul3A_252 = arith.muli %and3A_248, %mul3A_251 : i32
      %dma_start3A_253 = arith.constant 0 : i32
      %dma_start3A_254 = arith.constant 0 : i32
      %dma_start3A_255 = tpu.memref_slice %arg6[%mul3A_250, %mul3A_252, %dma_start3A_253, %dma_start3A_254] : memref<200x128x2x128xf32, #tpu.memory_space<hbm>> -> memref<8x4x2x128xf32, #tpu.memory_space<hbm>>
      %dma_start3A_256 = arith.constant 0 : i32
      %dma_start3A_257 = arith.constant 0 : i32
      %dma_start3A_258 = tpu.memref_slice %arg6[%mul3A_250, %mul3A_252, %dma_start3A_256, %dma_start3A_257] : memref<200x128x2x128xf32, #tpu.memory_space<hbm>> -> memref<8x4x2x128xf32, #tpu.memory_space<hbm>>
      tpu.enqueue_dma source(%arg12 : memref<8x4x2x128xf32, #tpu.memory_space<vmem>>) target(%dma_start3A_258 : memref<8x4x2x128xf32, #tpu.memory_space<hbm>>) target_semaphore(%arg16 : memref<!tpu.dma_semaphore, #tpu.memory_space<semaphore_mem>>)
      %add3A_259 = arith.constant 2 : i32
      %add3A_260 = arith.addi %add3A_231, %add3A_259 : i32
      %lt3A_261 = arith.constant 25 : i32
      %lt3A_262 = arith.cmpi slt, %add3A_260, %lt3A_261 : i32
      %convert_element_type3A_263 = arith.extui %lt3A_262 : i1 to i32
      %cond3A_264 = arith.constant 0 : i32
      %cond3A_265 = arith.cmpi ne, %convert_element_type3A_263, %cond3A_264 : i32
      scf.if %cond3A_265 {
        %add3A_266 = arith.constant 2 : i32
        %add3A_267 = arith.addi %add3A_231, %add3A_266 : i32
        %add3A_268 = arith.addi %mul3A_2, %add3A_267 : i32
        %shift_right_arithmetic3A_269 = arith.constant 5 : i32
        %shift_right_arithmetic3A_270 = arith.shrsi %add3A_268, %shift_right_arithmetic3A_269 : i32
        %and3A_271 = arith.constant 31 : i32
        %and3A_272 = arith.andi %add3A_268, %and3A_271 : i32
        %mul3A_273 = arith.constant 131072 : i32
        %mul3A_274 = arith.muli %shift_right_arithmetic3A_270, %mul3A_273 : i32
        %mul3A_275 = arith.constant 4096 : i32
        %mul3A_276 = arith.muli %and3A_272, %mul3A_275 : i32
        %add3A_277 = arith.addi %mul3A_274, %mul3A_276 : i32
        %dma_start3A_278 = tpu.memref_slice %arg5[%add3A_277] : memref<3276800xi32, #tpu.memory_space<hbm>> -> memref<4096xi32, #tpu.memory_space<hbm>>
        %dma_start3A_279 = tpu.memref_slice %arg5[%add3A_277] : memref<3276800xi32, #tpu.memory_space<hbm>> -> memref<4096xi32, #tpu.memory_space<hbm>>
        tpu.enqueue_dma source(%dma_start3A_279 : memref<4096xi32, #tpu.memory_space<hbm>>) target(%arg10 : memref<4096xi32, #tpu.memory_space<vmem>>) target_semaphore(%arg14 : memref<!tpu.dma_semaphore, #tpu.memory_space<semaphore_mem>>)
      } else {
      }
    }
    %scan3A_139 = arith.constant 12 : i32
    %dma_wait3A = arith.constant 0 : i32
    %dma_wait3A_140 = tpu.memref_slice %arg5[%dma_wait3A] : memref<3276800xi32, #tpu.memory_space<hbm>> -> memref<4096xi32, #tpu.memory_space<hbm>>
    %dma_wait3A_141 = arith.constant 0 : i32
    %dma_wait3A_142 = tpu.memref_slice %arg5[%dma_wait3A_141] : memref<3276800xi32, #tpu.memory_space<hbm>> -> memref<4096xi32, #tpu.memory_space<hbm>>
    tpu.wait_dma2 semaphore(%arg13 : memref<!tpu.dma_semaphore, #tpu.memory_space<semaphore_mem>>) src(%dma_wait3A_142 : memref<4096xi32, #tpu.memory_space<hbm>>) dst(%arg9 : memref<4096xi32, #tpu.memory_space<vmem>>)
    %dma_wait3A_143 = arith.constant 0 : i32
    %dma_wait3A_144 = arith.constant 0 : i32
    %dma_wait3A_145 = arith.constant 0 : i32
    %dma_wait3A_146 = arith.constant 0 : i32
    %dma_wait3A_147 = tpu.memref_slice %arg6[%dma_wait3A_143, %dma_wait3A_144, %dma_wait3A_145, %dma_wait3A_146] : memref<200x128x2x128xf32, #tpu.memory_space<hbm>> -> memref<8x4x2x128xf32, #tpu.memory_space<hbm>>
    %dma_wait3A_148 = arith.constant 0 : i32
    %dma_wait3A_149 = arith.constant 0 : i32
    %dma_wait3A_150 = arith.constant 0 : i32
    %dma_wait3A_151 = arith.constant 0 : i32
    %dma_wait3A_152 = tpu.memref_slice %arg6[%dma_wait3A_148, %dma_wait3A_149, %dma_wait3A_150, %dma_wait3A_151] : memref<200x128x2x128xf32, #tpu.memory_space<hbm>> -> memref<8x4x2x128xf32, #tpu.memory_space<hbm>>
    tpu.wait_dma2 semaphore(%arg15 : memref<!tpu.dma_semaphore, #tpu.memory_space<semaphore_mem>>) src(%dma_wait3A_152 : memref<8x4x2x128xf32, #tpu.memory_space<hbm>>) dst(%arg11 : memref<8x4x2x128xf32, #tpu.memory_space<vmem>>)
    %parallel_loop3A = arith.constant 0 : i32
    %parallel_loop3A_153 = arith.constant 256 : i32
    %parallel_loop3A_154 = arith.constant 1 : i32
    scf.for %parallel_loop3A_191 = %parallel_loop3A to %parallel_loop3A_153 step %parallel_loop3A_154  : i32 {
      %parallel_loop3A_192 = arith.constant 5 : i32
      %parallel_loop3A_193 = arith.shrsi %parallel_loop3A_191, %parallel_loop3A_192 : i32
      %parallel_loop3A_194 = arith.constant 3 : i32
      %parallel_loop3A_195 = arith.shrsi %parallel_loop3A_191, %parallel_loop3A_194 : i32
      %parallel_loop3A_196 = arith.constant 3 : i32
      %parallel_loop3A_197 = arith.andi %parallel_loop3A_195, %parallel_loop3A_196 : i32
      %parallel_loop3A_198 = arith.constant 7 : i32
      %parallel_loop3A_199 = arith.andi %parallel_loop3A_191, %parallel_loop3A_198 : i32
      %parallel_loop3A_200 = arith.constant 1024 : i32
      %parallel_loop3A_201 = arith.muli %parallel_loop3A_197, %parallel_loop3A_200 : i32
      %parallel_loop3A_202 = arith.constant 128 : i32
      %parallel_loop3A_203 = arith.muli %parallel_loop3A_193, %parallel_loop3A_202 : i32
      %parallel_loop3A_204 = arith.addi %parallel_loop3A_201, %parallel_loop3A_203 : i32
      %parallel_loop3A_205 = arith.constant 16 : i32
      %parallel_loop3A_206 = arith.muli %parallel_loop3A_199, %parallel_loop3A_205 : i32
      %parallel_loop3A_207 = arith.addi %parallel_loop3A_204, %parallel_loop3A_206 : i32
      %parallel_loop3A_208 = arith.constant 16 : i32
      %parallel_loop3A_209 = arith.muli %parallel_loop3A_199, %parallel_loop3A_208 : i32
      %parallel_loop3A_210 = arith.index_cast %parallel_loop3A_207 : i32 to index
      %parallel_loop3A_211 = tpu.vector_load %arg9[%parallel_loop3A_210] {strides = array<i32>} : memref<4096xi32, #tpu.memory_space<vmem>>, vector<16xi32>,
      %parallel_loop3A_212 = tpu.vector_load_idx %arg8[%parallel_loop3A_211] : memref<32xf32, #tpu.memory_space<vmem>>[vector<16xi32>], vector<16xf32>,
      %parallel_loop3A_213 = arith.constant 0 : i32
      %parallel_loop3A_214 = arith.index_cast %parallel_loop3A_193 : i32 to index
      %parallel_loop3A_215 = arith.index_cast %parallel_loop3A_197 : i32 to index
      %parallel_loop3A_216 = arith.index_cast %parallel_loop3A_213 : i32 to index
      %parallel_loop3A_217 = arith.index_cast %parallel_loop3A_209 : i32 to index
      %parallel_loop3A_218 = tpu.vector_load %arg11[%parallel_loop3A_214, %parallel_loop3A_215, %parallel_loop3A_216, %parallel_loop3A_217] {strides = array<i32>} : memref<8x4x2x128xf32, #tpu.memory_space<vmem>>, vector<16xf32>,
      tpu.vector_store %arg11[%parallel_loop3A_214, %parallel_loop3A_215, %parallel_loop3A_216, %parallel_loop3A_217], %parallel_loop3A_212 {strides = array<i32>} : memref<8x4x2x128xf32, #tpu.memory_space<vmem>>, vector<16xf32>,
      %parallel_loop3A_219 = arith.constant 16 : i32
      %parallel_loop3A_220 = vector.broadcast %parallel_loop3A_219 : i32 to vector<16xi32>
      %parallel_loop3A_221 = arith.addi %parallel_loop3A_211, %parallel_loop3A_220 : vector<16xi32>
      %parallel_loop3A_222 = tpu.vector_load_idx %arg8[%parallel_loop3A_221] : memref<32xf32, #tpu.memory_space<vmem>>[vector<16xi32>], vector<16xf32>,
      %parallel_loop3A_223 = arith.constant 1 : i32
      %parallel_loop3A_224 = arith.index_cast %parallel_loop3A_193 : i32 to index
      %parallel_loop3A_225 = arith.index_cast %parallel_loop3A_197 : i32 to index
      %parallel_loop3A_226 = arith.index_cast %parallel_loop3A_223 : i32 to index
      %parallel_loop3A_227 = arith.index_cast %parallel_loop3A_209 : i32 to index
      %parallel_loop3A_228 = tpu.vector_load %arg11[%parallel_loop3A_224, %parallel_loop3A_225, %parallel_loop3A_226, %parallel_loop3A_227] {strides = array<i32>} : memref<8x4x2x128xf32, #tpu.memory_space<vmem>>, vector<16xf32>,
      tpu.vector_store %arg11[%parallel_loop3A_224, %parallel_loop3A_225, %parallel_loop3A_226, %parallel_loop3A_227], %parallel_loop3A_222 {strides = array<i32>} : memref<8x4x2x128xf32, #tpu.memory_space<vmem>>, vector<16xf32>,
    } {sc.loop_unroll_factor = 8 : i64, sc.parallel_access}
    %add3A_155 = arith.constant 24 : i32
    %add3A_156 = arith.addi %mul3A_2, %add3A_155 : i32
    %shift_right_arithmetic3A_157 = arith.constant 5 : i32
    %shift_right_arithmetic3A_158 = arith.shrsi %add3A_156, %shift_right_arithmetic3A_157 : i32
    %and3A_159 = arith.constant 31 : i32
    %and3A_160 = arith.andi %add3A_156, %and3A_159 : i32
    %mul3A_161 = arith.constant 8 : i32
    %mul3A_162 = arith.muli %shift_right_arithmetic3A_158, %mul3A_161 : i32
    %mul3A_163 = arith.constant 4 : i32
    %mul3A_164 = arith.muli %and3A_160, %mul3A_163 : i32
    %dma_start3A_165 = arith.constant 0 : i32
    %dma_start3A_166 = arith.constant 0 : i32
    %dma_start3A_167 = tpu.memref_slice %arg6[%mul3A_162, %mul3A_164, %dma_start3A_165, %dma_start3A_166] : memref<200x128x2x128xf32, #tpu.memory_space<hbm>> -> memref<8x4x2x128xf32, #tpu.memory_space<hbm>>
    %dma_start3A_168 = arith.constant 0 : i32
    %dma_start3A_169 = arith.constant 0 : i32
    %dma_start3A_170 = tpu.memref_slice %arg6[%mul3A_162, %mul3A_164, %dma_start3A_168, %dma_start3A_169] : memref<200x128x2x128xf32, #tpu.memory_space<hbm>> -> memref<8x4x2x128xf32, #tpu.memory_space<hbm>>
    tpu.enqueue_dma source(%arg11 : memref<8x4x2x128xf32, #tpu.memory_space<vmem>>) target(%dma_start3A_170 : memref<8x4x2x128xf32, #tpu.memory_space<hbm>>) target_semaphore(%arg15 : memref<!tpu.dma_semaphore, #tpu.memory_space<semaphore_mem>>)
    %dma_wait3A_171 = arith.constant 0 : i32
    %dma_wait3A_172 = arith.constant 0 : i32
    %dma_wait3A_173 = arith.constant 0 : i32
    %dma_wait3A_174 = arith.constant 0 : i32
    %dma_wait3A_175 = tpu.memref_slice %arg6[%dma_wait3A_171, %dma_wait3A_172, %dma_wait3A_173, %dma_wait3A_174] : memref<200x128x2x128xf32, #tpu.memory_space<hbm>> -> memref<8x4x2x128xf32, #tpu.memory_space<hbm>>
    %dma_wait3A_176 = arith.constant 0 : i32
    %dma_wait3A_177 = arith.constant 0 : i32
    %dma_wait3A_178 = arith.constant 0 : i32
    %dma_wait3A_179 = arith.constant 0 : i32
    %dma_wait3A_180 = tpu.memref_slice %arg6[%dma_wait3A_176, %dma_wait3A_177, %dma_wait3A_178, %dma_wait3A_179] : memref<200x128x2x128xf32, #tpu.memory_space<hbm>> -> memref<8x4x2x128xf32, #tpu.memory_space<hbm>>
    tpu.wait_dma2 semaphore(%arg16 : memref<!tpu.dma_semaphore, #tpu.memory_space<semaphore_mem>>) src(%dma_wait3A_180 : memref<8x4x2x128xf32, #tpu.memory_space<hbm>>) dst(%arg12 : memref<8x4x2x128xf32, #tpu.memory_space<vmem>>)
    %dma_wait3A_181 = arith.constant 0 : i32
    %dma_wait3A_182 = arith.constant 0 : i32
    %dma_wait3A_183 = arith.constant 0 : i32
    %dma_wait3A_184 = arith.constant 0 : i32
    %dma_wait3A_185 = tpu.memref_slice %arg6[%dma_wait3A_181, %dma_wait3A_182, %dma_wait3A_183, %dma_wait3A_184] : memref<200x128x2x128xf32, #tpu.memory_space<hbm>> -> memref<8x4x2x128xf32, #tpu.memory_space<hbm>>
    %dma_wait3A_186 = arith.constant 0 : i32
    %dma_wait3A_187 = arith.constant 0 : i32
    %dma_wait3A_188 = arith.constant 0 : i32
    %dma_wait3A_189 = arith.constant 0 : i32
    %dma_wait3A_190 = tpu.memref_slice %arg6[%dma_wait3A_186, %dma_wait3A_187, %dma_wait3A_188, %dma_wait3A_189] : memref<200x128x2x128xf32, #tpu.memory_space<hbm>> -> memref<8x4x2x128xf32, #tpu.memory_space<hbm>>
    tpu.wait_dma2 semaphore(%arg15 : memref<!tpu.dma_semaphore, #tpu.memory_space<semaphore_mem>>) src(%dma_wait3A_190 : memref<8x4x2x128xf32, #tpu.memory_space<hbm>>) dst(%arg11 : memref<8x4x2x128xf32, #tpu.memory_space<vmem>>)
    return
  }
}

</mosaic_0001>

<sc_bundles>
// kernel: kernel.3.cloned.1.call-start
scs
__scs_entry_jumppad:
0x0: {  	(pc) =	sbr.rel $0x88, $3  }
0x1: {  	(tag) =	ssettag $0x0;
	lr =	simm.s32 $0x1  }
0x2: {  	[smem:$0x3F9D] =	sst lr;
	_ =	strace $0xD0000000  }
0x3: {  	_ = 	snop  }
0x4: {  	_ = 	snop  }
0x5: {  	_ = 	snop  }
0x6: {  	_ = 	snop  }
0x7: {  	_ = 	snop  }
__scs_overlays_trampoline_lowered:
0x8: {  	[smem:$0x3FAC] =	sst s0  }
0x9: {  	[smem:$0x3FAD] =	sst s1  }
0xa: {  	[smem:$0x3FAE] =	sst s2  }
0xb: {  	[smem:$0x3FAF] =	sst s3  }
0xc: {  	[smem:$0x3FB0] =	sst s4  }
0xd: {  	[smem:$0x3FB1] =	sst s5  }
0xe: {  	[smem:$0x3FB2] =	sst s6  }
0xf: {  	[smem:$0x3FB3] =	sst s7  }
0x10: {  	[smem:$0x3FB4] =	sst s8  }
0x11: {  	[smem:$0x3FB5] =	sst s9;
	s0 =	simm.s32 @!p0 $0x0  }
0x12: {  	s1 =	sld [smem:$0x3F9B];
	s0 =	simm.s32 @p0 $0x1  }
0x13: {  	[smem:$0x3FB6] =	sst s0;
	s0 =	simm.s32 @!p1 $0x0  }
0x14: {  	s2 =	sld [smem:$0x3F9A];
	s0 =	simm.s32 @p1 $0x1  }
0x15: {  	[smem:$0x3FB7] =	sst s0;
	s0 =	simm.s32 @!p2 $0x0  }
0x16: {  	s3 =	sld [smem:$0x3FDB];
	s0 =	simm.s32 @p2 $0x1  }
0x17: {  	s4 =	simm.s32 $0x1BF5;
	[smem:$0x3FB9] =	sst s0  }
0x18: {  	s0 =	sld [smem:$0x3F9C];
	_ =	swait.ge [sflag:s4], $0x0  }
0x19: {  	s7 =	sld [smem:$0x3F9D]  }
0x1a: {  	s8 =	sadd.s32 $0xFFFFE003, lr  }
0x1b: {  	s9 =	sadd.s32 $0xFFFFFEF7, lr;
	s5 =	simm.s32 $0xFFFFFFFF;
	p2 =	slt.u32 s8, $0xFFFFF086  }
0x1c: {  	p1 =	slt.u32 s9, $0xF7A;
	s5 =	simm.s32 @!p2 $0x0  }
0x1d: {  	s5 =	simm.s32 @p1 $0x1;
	p0 =	seq.s32 s7, s2  }
0x1e: {  	s7 =	smul.u32 @!p0 $0xF7A, s2;
	p2 =	seq.s32 @!p0 s5, $0x0  }
0x1f: {  	s9 =	smul.u32 $0xF7A, s1;
	s8 =	simm.s32 @!p0 $0x1BF5;
	p2 =	por !p2, p0  }
0x20: {  	[sflag:s8] =	ssyncset.s32 @!p0 $0xFFFFF086;
	s6 =	sadd.s32 @!p0 s3, s7;
	s7 =	simm.s32 @!p0 $0x108  }
0x21: {  	s3 =	sadd.s32 s3, s9;
	s6 =	sadd.s32 @!p0 $0x88, s6;
	s7 =	simm.s32 @p2 $0x1082  }
0x22: {  	[simem:s7], [sflag:s8] =	dma.local @!p0 [hbm:s6], $0xF7A  }
0x23: {  	s9 =	sor.u32 $0xD0000000, s2;
	s6 =	simm.s32 $0x108;
	_ =	swait.ge @!p0 [sflag:s8], $0x0  }
0x24: {  	s3 =	sadd.s32 $0x88, s3;
	s6 =	simm.s32 @!p1 $0x1082;
	[sflag:s4] =	ssyncset.s32 $0xFFFFF086  }
0x25: {  	[simem:s6], [sflag:s4] =	dma.local [hbm:s3], $0xF7A  }
0x26: {  	[smem:$0x3F9D] =	sst s1;
	(tag) =	ssettag s2;
	_ =	strace s9  }
0x27: {  	s1 =	sld [smem:$0x3FAD]  }
0x28: {  	s2 =	sld [smem:$0x3FAE]  }
0x29: {  	s4 =	sld [smem:$0x3FB0]  }
0x2a: {  	p0 =	seq.s32 s5, $0x0;
	s5 =	sld [smem:$0x3FB1]  }
0x2b: {  	s6 =	sld [smem:$0x3FB2]  }
0x2c: {  	s7 =	sld [smem:$0x3FB3]  }
0x2d: {  	s3 =	simm.s32 $0x108;
	s8 =	sld [smem:$0x3FB4]  }
0x2e: {  	s3 =	simm.s32 @!p0 $0x1082;
	s9 =	sld [smem:$0x3FB5]  }
0x2f: {  	lr =	sadd.s32 s0, s3;
	s0 =	sld [smem:$0x3FAC]  }
0x30: {  	s3 =	sld [smem:$0x3FAF]  }
0x31: {  	[smem:$0x3FB8] =	sst s10  }
0x32: {  	s10 =	sld [smem:$0x3FB6];
	_ =	sdelay $0x3  }
0x33: {  	p0 =	seq.s32 s10, $0x1;
	s10 =	sld [smem:$0x3FB8];
	_ =	sdelay $0x3  }
0x34: {  	[smem:$0x3FB8] =	sst s10  }
0x35: {  	s10 =	sld [smem:$0x3FB7];
	_ =	sdelay $0x3  }
0x36: {  	p1 =	seq.s32 s10, $0x1;
	s10 =	sld [smem:$0x3FB8];
	_ =	sdelay $0x3  }
0x37: {  	[smem:$0x3FB8] =	sst s10  }
0x38: {  	s10 =	sld [smem:$0x3FB9]  }
0x39: {  	_ = 	snop;
	(pc) =	sbr.ind lr, $3  }
0x3a: {  	_ = 	snop  }
0x3b: {  	_ = 	snop  }
0x3c: {  	p2 =	seq.s32 s10, $0x1;
	s10 =	sld [smem:$0x3FB8]  }
0x3d: {  	_ =	shalt  }
0x3e: {  	_ =	shalt  }
0x3f: {  	_ =	shalt  }
0x40: {  	_ =	shalt  }
0x41: {  	_ =	shalt  }
0x42: {  	_ =	shalt  }
0x43: {  	_ =	shalt  }
0x44: {  	_ =	shalt  }
0x45: {  	_ =	shalt  }
0x46: {  	_ =	shalt  }
0x47: {  	_ =	shalt  }
0x48: {  	_ =	shalt  }
0x49: {  	_ =	shalt  }
0x4a: {  	_ =	shalt  }
0x4b: {  	_ =	shalt  }
0x4c: {  	_ =	shalt  }
0x4d: {  	_ =	shalt  }
0x4e: {  	_ =	shalt  }
0x4f: {  	_ =	shalt  }
0x50: {  	_ =	shalt  }
0x51: {  	_ =	shalt  }
0x52: {  	_ =	shalt  }
0x53: {  	_ =	shalt  }
0x54: {  	_ =	shalt  }
0x55: {  	_ =	shalt  }
0x56: {  	_ =	shalt  }
0x57: {  	_ =	shalt  }
0x58: {  	_ =	shalt  }
0x59: {  	_ =	shalt  }
0x5a: {  	_ =	shalt  }
0x5b: {  	_ =	shalt  }
0x5c: {  	_ =	shalt  }
0x5d: {  	_ =	shalt  }
0x5e: {  	_ =	shalt  }
0x5f: {  	_ =	shalt  }
0x60: {  	_ =	shalt  }
0x61: {  	_ =	shalt  }
0x62: {  	_ =	shalt  }
0x63: {  	_ =	shalt  }
0x64: {  	_ =	shalt  }
0x65: {  	_ =	shalt  }
0x66: {  	_ =	shalt  }
0x67: {  	_ =	shalt  }
0x68: {  	_ =	shalt  }
0x69: {  	_ =	shalt  }
0x6a: {  	_ =	shalt  }
0x6b: {  	_ =	shalt  }
0x6c: {  	_ =	shalt  }
0x6d: {  	_ =	shalt  }
0x6e: {  	_ =	shalt  }
0x6f: {  	_ =	shalt  }
0x70: {  	_ =	shalt  }
0x71: {  	_ =	shalt  }
0x72: {  	_ =	shalt  }
0x73: {  	_ =	shalt  }
0x74: {  	_ =	shalt  }
0x75: {  	_ =	shalt  }
0x76: {  	_ =	shalt  }
0x77: {  	_ =	shalt  }
0x78: {  	_ =	shalt  }
0x79: {  	_ =	shalt  }
0x7a: {  	_ =	shalt  }
0x7b: {  	_ =	shalt  }
0x7c: {  	_ =	shalt  }
0x7d: {  	_ =	shalt  }
0x7e: {  	_ =	shalt  }
0x7f: {  	_ =	shalt  }
0x80: {  	_ =	shalt  }
0x81: {  	_ =	shalt  }
0x82: {  	_ =	shalt  }
0x83: {  	_ =	shalt  }
0x84: {  	_ =	shalt  }
0x85: {  	_ =	shalt  }
0x86: {  	_ =	shalt  }
0x87: {  	_ =	shalt  }
.Lfunc_end0:
.L_simem_size_0:
called_computation_lowered:
.L_overlay_start_0:
0x88: {  	s2 =	sld [smem:$0x3FD9]  }
0x89: {  	s3 =	sld [smem:$0x3FFE];
	_ =	sdelay $0x1  }
0x8a: {  	s1 =	srdreg.scid  }
0x8b: {  	s0 =	sand.u32 $0x1, s1  }
0x8c: {  	s18 =	sshll.u32 s0, $0xA;
	s2 =	sadd.s32 s3, s2  }
0x8d: {  	s2 =	sadd.s32 s2, s18  }
0x8e: {  	[smem:$0x3FC4] =	sst s2  }
0x8f: {  	_ = 	snop  }
0x90: {  	s2 =	sld [smem:$0x3FC9]  }
0x91: {  	s19 =	sld [smem:$0x3FC8]  }
0x92: {  	s4 =	sld [smem:$0x3FC7]  }
0x93: {  	s5 =	sld [smem:$0x3FC6]  }
0x94: {  	s6 =	sld [smem:$0x3FD0];
	(tm) =	ssettm $0x1  }
0x95: {  	s7 =	sld [smem:$0x3FFB];
	_ =	sdelay $0x3  }
0x96: {  	_ =	strace s7  }
0x97: {  	s7 =	sld [smem:$0x3FFC];
	_ =	sdelay $0x3  }
0x98: {  	_ =	strace s7  }
0x99: {  	s7 =	sld [smem:$0x3FFD];
	_ =	sdelay $0x3  }
0x9a: {  	_ =	strace s7  }
0x9b: {  	_ =	strace $0x8FFFFFFF  }
0x9c: {  	s20 =	sld [smem:$0x3FDB];
	_ =	sdelay $0x1  }
0x9d: {  	s8 =	simm.s32 $_scs_section_size  }
0x9e: {  	s9 =	simm.s32 $_size__tile_overlayer_lowered;
	s10 =	simm.s32 $_tile_overlayer_lowered  }
0x9f: {  	s23 =	simm.s32 $0x1BFF;
	s22 =	sshll.u32 s10, $0x1;
	s7 =	sadd.s32 s8, s20  }
0xa0: {  	s11 =	simm.s32 $0x0;
	s21 =	sshll.u32 s9, $0x1;
	s9 =	sadd.s32 s22, s7  }
0xa1: {  	[timem:s11], [sflag:s23] =	dma.local [hbm:s9], s21  }
0xa2: {  	_ =	swait.ge [sflag:s23], s21  }
0xa3: {  	s8 =	ssub.s32 $0x0, s21;
	[sflag:s23] =	ssyncset.done $0x0  }
0xa4: {  	[sflag:s23] =	ssyncadd.s32 s8;
	_ =	sdelay $0x1  }
0xa5: {  	s24 =	simm.s32 $0x1B8B  }
0xa6: {  	_ =	swait.ge [sflag:s24], $0x1  }
0xa7: {  	[sflag:s24] =	ssyncset.done $0x0  }
0xa8: {  	s25 =	simm.s32 $0x1B8E;
	[sflag:s24] =	ssyncadd.s32 $0xFFFFFFFF  }
0xa9: {  	s26 =	simm.s32 $execute0_lowered;
	[smem:$0x3FD2] =	sst s25  }
0xaa: {  	s8 =	sshll.u32 s26, $0x1;
	_ =	strace $0x80000046;
	[dreg:$0x1] =	wrdreg $0xFFFFFFFF  }
0xab: {  	s28 =	simm.s32 $_size_execute0_lowered;
	s7 =	sadd.s32 s7, s8;
	[dreg:$0x0] =	wrdreg $0x0  }
0xac: {  	s8 =	sshll.u32 s28, $0x1;
	[dreg:$0x2] =	wrdreg s7  }
0xad: {  	[dreg:$0x3] =	wrdreg s8  }
0xae: {  	[dreg:$0x4] =	wrdreg $0xC0  }
0xaf: {  	_ =	task [dreg:s11], $0x5FFFF  }
0xb0: {  	[dreg:$0x1] =	wrdreg $0xFFFFFFFF  }
0xb1: {  	[dreg:$0x0] =	wrdreg $0x60  }
0xb2: {  	[dreg:$0x2] =	wrdreg s19  }
0xb3: {  	[dreg:$0x3] =	wrdreg s4  }
0xb4: {  	[dreg:$0x4] =	wrdreg s5  }
0xb5: {  	[dreg:$0x5] =	wrdreg s2  }
0xb6: {  	[dreg:$0x6] =	wrdreg s6  }
0xb7: {  	[dreg:$0x7] =	wrdreg $0x9  }
0xb8: {  	_ =	task.clear_ibuf [dreg:s11], $0x8FFFF;
	_ =	strace $0x90000046  }
0xb9: {  	s29 =	simm.s32 $0x9;
	_ =	strace $0x80000048  }
0xba: {  	_ =	swait.ge [sflag:s29], $0x1  }
0xbb: {  	[sflag:s29] =	ssyncadd.s32 $0xFFFFFFFF  }
0xbc: {  	_ =	strace $0x90000048  }
0xbd: {  	_ =	sfence  }
0xbe: {  	s30 =	sld [smem:$0x0];
	_ =	sdelay $0x2  }
0xbf: {  	s31 =	sshll.u32 s1, $0xD;
	s1 =	sshrl.u32 s1, $0x2  }
0xc0: {  	s3 =	sand.u32 $0x4000, s31;
	s1 =	sadd.s32 s1, s30  }
0xc1: {  	s0 =	sor.u32 s3, s0;
	s1 =	sshll.u32 s1, $0x11  }
0xc2: {  	s0 =	sor.u32 s1, s0  }
0xc3: {  	s0 =	sadd.s32 $0x8F2B, s0  }
0xc4: {  	[sflag:s0] =	ssyncadd.remote.s32 $0x1  }
0xc5: {  	_ =	sfence.sel $0xFFFF  }
0xc6: {  	[dreg:$0x0] =	wrdreg $0xFFFFFFFF;
	(pc) =	sbr.abs _section_cstart, $3  }
0xc7: {  	[dreg:$0x1] =	wrdreg $0xFFFFFFFF  }
0xc8: {  	_ =	task.clear_ibuf [dreg:s11], $0x2FFFF;
	_ =	strace $0x9FFFFFFF  }
0xc9: {  	(tm) =	ssettm $0x7FFFFFFF  }
tec
execute0_lowered:
.L_overlay_start_1:
0x0: {  	(tag) =	ssettag $0x1  }
0x1: {  	v0 =	vimm.f32 $1.500000000e+01;
	vm0 =	vcmask $0x300  }
0x2: {  	s4 =	rddreg [dreg:$0x3];
	s0 =	srdreg.scid;
	vm14 =	vcmask $0x704;
	v0 =	vsel vm0, $0x0, v0  }
0x3: {  	s1 =	stileid.u32;
	s6 =	rddreg [dreg:$0x4];
	s7 =	simm.s32 $0x0;
	vm15 =	vcmask $0xB08;
	v0 =	vsel vm14, $0x3F800000, v0  }
0x4: {  	vm4 =	vcmask $0xF0C;
	s15 =	simm.s32 $0x100;
	s16 =	simm.s32 $0x1100;
	s18 =	simm.s32 $0x5;
	v0 =	vsel vm15, $0x40000000, v0  }
0x5: {  	vm5 =	vcmask $0x1310;
	s21 =	simm.s32 $0x1;
	s0 =	sand.u32 $0x1, s0;
	s1 =	sshll.u32 s1, $0x1;
	v0 =	vsel vm4, $0x40400000, v0  }
0x6: {  	vm6 =	vcmask $0x1714;
	s22 =	simm.s32 $0x80;
	s23 =	simm.s32 $0x400;
	s1 =	sor.u32 s0, s1;
	v0 =	vsel vm5, $0x40800000, v0  }
0x7: {  	vm7 =	vcmask $0x1B18;
	s28 =	simm.s32 $0x4100;
	s29 =	simm.s32 $0x3;
	s2 =	smul.u32 $0x19000, s1;
	v0 =	vsel vm6, $0x40A00000, v0  }
0x8: {  	vm8 =	vcmask $0x1F1C;
	s30 =	simm.s32 $0x4;
	s0 =	ssub.s32 $0x2, s0;
	s8 =	smul.u32 $0x19, s1;
	v0 =	vsel vm7, $0x40C00000, v0  }
0x9: {  	vm9 =	vcmask $0x2320;
	[smem:$0x7FF] =	sst s7;
	s3 =	sshrl.u32 s0, $0x1;
	s1 =	smul.u32 $0x3200, s1;
	v0 =	vsel vm8, $0x40E00000, v0  }
0xa: {  	vm10 =	vcmask $0x2724;
	s31 =	simm.s32 $0x0;
	_ =	strace $0x80000047;
	s0 =	ssub.s32 s0, s3;
	v0 =	vsel vm9, $0x41000000, v0  }
0xb: {  	vm11 =	vcmask $0x2B28;
	s2 =	sshrl.u32 s2, $0x3;
	s24 =	sadd.s32 $0x18, s8;
	s1 =	sadd.s32 s4, s1;
	v0 =	vsel vm10, $0x41100000, v0  }
0xc: {  	vm12 =	vcmask $0x2F2C;
	s11 =	sadd.s32 $0x2, s8;
	s12 =	sadd.s32 $0x3, s8;
	s14 =	smax.u32 s0, $0x1;
	v0 =	vsel vm11, $0x41200000, v0  }
0xd: {  	vm13 =	vcmask $0x3330;
	s2 =	sadd.s32 s4, s2;
	[dreg:$0x6] =	wrdreg s1;
	s25 =	sshll.u32 s24, $0x7;
	v1 =	vsel vm12, $0x41300000, v0  }
0xe: {  	v4 =	vimm.f32 $-5.000000000e-01;
	vm14 =	vcmask $0x3734;
	s26 =	sshll.u32 s24, $0xA;
	s24 =	simm.s32 $0x8000;
	s1 =	sand.u32 $0xF80, s25;
	v2 =	vsel vm13, $0x41400000, v1  }
0xf: {  	vm15 =	vcmask $0x3B38;
	s10 =	sadd.s32 $0x200, s2;
	s2 =	sand.u32 $0x1F8000, s26;
	s1 =	sadd.s32 s6, s1;
	v0 =	vimm.s32 $0x8;
	v3 =	vsel vm14, $0x41500000, v2  }
0x10: {  	s25 =	simm.s32 $0x2100;
	s26 =	simm.s32 $0x2;
	s13 =	sadd.s32 s2, s1;
	v1 =	vimm.s32 $0x18;
	v2 =	vimm.s32 $0x28;
	v3 =	vsel vm15, $0x41600000, v3  }
.LBB2_1:
0x11: {  	s0 =	rddreg [dreg:$0x6]  }
0x12: {  	[tilespmem:s15], [sflag:$0x1] =	stream.linear.gather [hbm4b:s0+s7], $0x1000, $0x38;
	[tilespmem:$0x6100] =	vst v63  }
0x13: {  	_ = 	snop  }
0x14: {  	[tilespmem:s16], [sflag:$0x2] =	stream.linear.gather [hbm4b:s10+s7], $0x1000, $0x38;
	[tilespmem:$0x6100] =	vst v63  }
0x15: {  	s5 =	rddreg [dreg:$0x0];
	s1 =	simm.s32 $0x8  }
0x16: {  	[tilespmem:s1], [sflag:$0x5] =	stream.linear.gather [hbm4b:s5+s7], $0x1, $0x38;
	[tilespmem:$0x6100] =	vst v63  }
0x17: {  	_ =	swait.ge [sflag:s18], $0x1  }
0x18: {  	[sflag:s18] =	ssyncset.done $0x0  }
0x19: {  	[sflag:s18] =	ssyncadd.s32 $0xFFFFFFFF  }
0x1a: {  	s17 =	simm.s32 $0x18;
	s9 =	rddreg [dreg:$0x1]  }
0x1b: {  	[tilespmem:s17], [sflag:$0x5] =	stream.linear.gather [hbm4b:s9+s7], $0x1, $0x38;
	[tilespmem:$0x6100] =	vst v63  }
0x1c: {  	_ =	swait.ge [sflag:s18], $0x1  }
0x1d: {  	[sflag:s18] =	ssyncset.done $0x0  }
0x1e: {  	[sflag:s18] =	ssyncadd.s32 $0xFFFFFFFF  }
0x1f: {  	s20 =	simm.s32 $0x28;
	s19 =	rddreg [dreg:$0x2]  }
0x20: {  	[tilespmem:s20], [sflag:$0x5] =	stream.linear.gather [hbm4b:s19+s7], $0x1, $0x38;
	[tilespmem:$0x6100] =	vst v63  }
0x21: {  	_ =	swait.ge [sflag:s18], $0x1  }
0x22: {  	[sflag:s18] =	ssyncset.done $0x0  }
0x23: {  	[sflag:s18] =	ssyncadd.s32 $0xFFFFFFFF  }
0x24: {  	v5 =	vld.idx.msk [tilespmem:v2+s7+$0x0], $0xffff;
	_ =	sdelay $0x1  }
0x25: {  	v6 =	vld.idx.msk [tilespmem:v1+s7+$0x0], $0xffff;
	_ =	sdelay $0x2  }
0x26: {  	v5 =	vmul.f32 v3, v5;
	_ =	sdelay $0x1  }
0x27: {  	v5 =	vadd.f32 v5, v6;
	_ =	sdelay $0x1  }
0x28: {  	v6 =	vmul.f32 $6.366197460e-01, v5;
	_ =	sdelay $0x1  }
0x29: {  	vm0 =	vge.f32 v6, $0.0e+00  }
0x2a: {  	v7 =	vsel vm0, $0x3F000000, v4  }
0x2b: {  	v6 =	vadd.f32 v7, v6;
	_ =	sdelay $0x1  }
0x2c: {  	v6 =	vtrunc.f32 v6  }
0x2d: {  	v6 =	vcvt.f32.s32 v6;
	_ =	sdelay $0x1  }
0x2e: {  	v7 =	vcvt.s32.f32 v6;
	_ =	sdelay $0x1  }
0x2f: {  	v8 =	vmul.f32 $-1.570785520e+00, v7;
	_ =	sdelay $0x1  }
0x30: {  	v7 =	vmul.f32 $-1.080433410e-05, v7;
	v5 =	vadd.f32 v8, v5;
	_ =	sdelay $0x1  }
0x31: {  	v5 =	vadd.f32 v7, v5;
	_ =	sdelay $0x1  }
0x32: {  	v7 =	vmul.f32 v5, v5;
	_ =	sdelay $0x1  }
0x33: {  	v60 =	vmul.f32 $2.480158760e-05, v7;
	_ =	sdelay $0x1  }
0x34: {  	v8 =	vadd.f32 $-1.388888920e-03, v60  }
0x35: {  	v9 =	vmul.f32 $-1.984127010e-04, v7  }
0x36: {  	v8 =	vmul.f32 v8, v7  }
0x37: {  	v9 =	vadd.f32 $8.333333770e-03, v9  }
0x38: {  	v8 =	vadd.f32 $4.166666790e-02, v8  }
0x39: {  	v9 =	vmul.f32 v9, v7  }
0x3a: {  	v8 =	vmul.f32 v8, v7  }
0x3b: {  	v9 =	vadd.f32 $-1.666666720e-01, v9  }
0x3c: {  	v8 =	vadd.f32 $-5.000000000e-01, v8  }
0x3d: {  	v9 =	vmul.f32 v9, v7  }
0x3e: {  	v7 =	vmul.f32 v8, v7  }
0x3f: {  	v61 =	vadd.f32 $1.000000000e+00, v9  }
0x40: {  	v7 =	vadd.f32 $1.000000000e+00, v7  }
0x41: {  	v5 =	vmul.f32 v61, v5  }
0x42: {  	v62 =	vld.idx.msk [tilespmem:v0+s7+$0x0], $0xffff;
	v6 =	vand.u32 $0x3, v6;
	v63 =	vsub.f32 $0.0e+00, v7  }
0x43: {  	vm15 =	veq.s32 v6, $0x2;
	v10 =	vsub.f32 $0.0e+00, v5  }
0x44: {  	vm1 =	veq.s32 v6, $0x1;
	v11 =	vsel vm15, v63, v5  }
0x45: {  	vm2 =	veq.s32 v6, $0x0;
	v9 =	vsel vm15, v10, v63;
	v6 =	vsel vm1, v10, v11  }
0x46: {  	v6 =	vsel vm2, v7, v6;
	v7 =	vsel vm1, v7, v9  }
0x47: {  	v5 =	vsel vm2, v5, v7;
	v6 =	vmul.f32 v6, v62  }
0x48: {  	v5 =	vmul.f32 v5, v62  }
0x49: {  	[tilespmem:$0x80] =	vst v6  }
0x4a: {  	s5 =	simm.s32 $0x0;
	[tilespmem:$0x90] =	vst v5  }
.LBB2_2:
0x4b: {  	_ =	swait.ge [sflag:s21], $0x1000  }
0x4c: {  	p0 =	seq.s32 s5, $0x0;
	[sflag:s21] =	ssyncset.done $0x0  }
0x4d: {  	s0 =	simm.s32 $0x0;
	s1 =	simm.s32 @!p0 $0x3;
	[sflag:s21] =	ssyncadd.s32 $0xFFFFF000  }
0x4e: {  	s3 =	simm.s32 $0x0;
	s2 =	sand.u32 $0x3, s0;
	_ =	swait.ge @!p0 [sflag:s1], $0x2000  }
0x4f: {  	s3 =	sand.u32 $0x3FFFFF80, s3;
	s17 =	sshll.u32 s2, $0xA;
	[sflag:s1] =	ssyncset.done @!p0 $0x0  }
0x50: {  	s19 =	sadd.s32 s3, s17;
	[sflag:s1] =	ssyncadd.s32 @!p0 $0xFFFFE000  }
0x51: {  	v5 =	vld [tilespmem:s19+$0x170]  }
0x52: {  	v6 =	vld [tilespmem:s19+$0x100]  }
0x53: {  	v7 =	vld [tilespmem:s19+$0x110]  }
0x54: {  	v8 =	vld [tilespmem:s19+$0x120]  }
0x55: {  	v10 =	vld [tilespmem:s19+$0x130]  }
0x56: {  	v14 =	vld [tilespmem:s19+$0x140]  }
0x57: {  	v15 =	vld [tilespmem:s19+$0x150]  }
0x58: {  	v16 =	vld [tilespmem:s19+$0x160]  }
0x59: {  	v9 =	vld.idx.msk [tilespmem:v5+s22+$0x0], $0xffff  }
0x5a: {  	v11 =	vld.idx.msk [tilespmem:v6+s22+$0x0], $0xffff  }
0x5b: {  	v17 =	vld.idx.msk [tilespmem:v7+s22+$0x0], $0xffff  }
0x5c: {  	s20 =	simm.s32 $0x0;
	v5 =	vadd.s32 $0x10, v5;
	v18 =	vld.idx.msk [tilespmem:v8+s22+$0x0], $0xffff  }
0x5d: {  	s2 =	sshll.u32 s2, $0x8;
	s1 =	sand.u32 $0x3FFFFC00, s20;
	v19 =	vld.idx.msk [tilespmem:v10+s22+$0x0], $0xffff;
	v7 =	vadd.s32 $0x10, v7  }
0x5e: {  	s2 =	sor.u32 s2, s1;
	v6 =	vadd.s32 $0x10, v6;
	v20 =	vld.idx.msk [tilespmem:v14+s22+$0x0], $0xffff  }
0x5f: {  	v13 =	vld.idx.msk [tilespmem:v15+s22+$0x0], $0xffff;
	[tilespmem:s2+$0x2170] =	vst v9  }
0x60: {  	v21 =	vadd.s32 $0x10, v8;
	[tilespmem:s2+$0x2100] =	vst v11;
	v11 =	vld.idx.msk [tilespmem:v16+s22+$0x0], $0xffff  }
0x61: {  	v8 =	vadd.s32 $0x10, v10;
	[tilespmem:s2+$0x2110] =	vst v17;
	v12 =	vld.idx.msk [tilespmem:v5+s22+$0x0], $0xffff  }
0x62: {  	v10 =	vld.idx.msk [tilespmem:v7+s22+$0x0], $0xffff;
	v7 =	vadd.s32 $0x10, v14  }
0x63: {  	[tilespmem:s2+$0x2120] =	vst v18;
	v9 =	vld.idx.msk [tilespmem:v6+s22+$0x0], $0xffff;
	v6 =	vadd.s32 $0x10, v15  }
0x64: {  	[tilespmem:s2+$0x2130] =	vst v19;
	v5 =	vadd.s32 $0x10, v16  }
0x65: {  	s3 =	simm.s32 $0x0;
	s1 =	sshll.u32 s5, $0x1;
	[tilespmem:s2+$0x2140] =	vst v20;
	v14 =	vld.idx.msk [tilespmem:v21+s22+$0x0], $0xffff  }
.LBB2_3:
0x66: {  	s3 =	sadd.s32 $0x8, s3;
	v8 =	vld.idx.msk [tilespmem:v8+s22+$0x0], $0xffff;
	[tilespmem:s2+$0x2150] =	vst v13;
	s0 =	sadd.s32 $0x1, s0  }
0x67: {  	s17 =	sand.u32 $0x3, s0;
	s19 =	sshll.u32 s3, $0x2;
	p1 =	slt.u32 s3, $0xF8;
	v7 =	vld.idx.msk [tilespmem:v7+s22+$0x0], $0xffff;
	[tilespmem:s2+$0x21F0] =	vst v12  }
0x68: {  	s20 =	sshll.u32 s17, $0xA;
	s19 =	sand.u32 $0x3FFFFF80, s19;
	v6 =	vld.idx.msk [tilespmem:v6+s22+$0x0], $0xffff;
	[tilespmem:s2+$0x2160] =	vst v11  }
0x69: {  	s19 =	sadd.s32 s19, s20;
	[tilespmem:s2+$0x2180] =	vst v9;
	v5 =	vld.idx.msk [tilespmem:v5+s22+$0x0], $0xffff  }
0x6a: {  	v9 =	vld [tilespmem:s19+$0x170];
	[tilespmem:s2+$0x2190] =	vst v10  }
0x6b: {  	v10 =	vld [tilespmem:s19+$0x100];
	[tilespmem:s2+$0x21A0] =	vst v14  }
0x6c: {  	v11 =	vld [tilespmem:s19+$0x110];
	[tilespmem:s2+$0x21B0] =	vst v8  }
0x6d: {  	v12 =	vld [tilespmem:s19+$0x120];
	[tilespmem:s2+$0x21C0] =	vst v7  }
0x6e: {  	v13 =	vld [tilespmem:s19+$0x130];
	[tilespmem:s2+$0x21D0] =	vst v6  }
0x6f: {  	v14 =	vld [tilespmem:s19+$0x140];
	[tilespmem:s2+$0x21E0] =	vst v5  }
0x70: {  	v15 =	vadd.s32 $0x10, v10;
	v16 =	vld [tilespmem:s19+$0x150]  }
0x71: {  	v17 =	vadd.s32 $0x10, v11;
	v18 =	vld [tilespmem:s19+$0x160]  }
0x72: {  	v19 =	vadd.s32 $0x10, v12;
	v20 =	vld.idx.msk [tilespmem:v9+s22+$0x0], $0xffff  }
0x73: {  	v10 =	vld.idx.msk [tilespmem:v10+s22+$0x0], $0xffff;
	v8 =	vadd.s32 $0x10, v13  }
0x74: {  	v9 =	vadd.s32 $0x10, v9;
	v11 =	vld.idx.msk [tilespmem:v11+s22+$0x0], $0xffff;
	v7 =	vadd.s32 $0x10, v14  }
0x75: {  	s2 =	sshll.u32 s3, $0x5;
	v21 =	vld.idx.msk [tilespmem:v12+s22+$0x0], $0xffff;
	v6 =	vadd.s32 $0x10, v16  }
0x76: {  	s17 =	sshll.u32 s17, $0x8;
	s2 =	sand.u32 $0x3FFFFC00, s2;
	v22 =	vld.idx.msk [tilespmem:v13+s22+$0x0], $0xffff;
	v5 =	vadd.s32 $0x10, v18  }
0x77: {  	s2 =	sor.u32 s17, s2;
	v23 =	vld.idx.msk [tilespmem:v14+s22+$0x0], $0xffff  }
0x78: {  	v13 =	vld.idx.msk [tilespmem:v16+s22+$0x0], $0xffff;
	[tilespmem:s2+$0x2170] =	vst v20  }
.Ltmp0:
0x79: {  	[tilespmem:s2+$0x2100] =	vst v10;
	v12 =	vld.idx.msk [tilespmem:v9+s22+$0x0], $0xffff;
	(pc) =	sbr.rel @p1 .LBB2_3-.Ltmp0, $4  }
0x7a: {  	[tilespmem:s2+$0x2110] =	vst v11;
	v11 =	vld.idx.msk [tilespmem:v18+s22+$0x0], $0xffff  }
0x7b: {  	v9 =	vld.idx.msk [tilespmem:v15+s22+$0x0], $0xffff;
	[tilespmem:s2+$0x2120] =	vst v21  }
0x7c: {  	v10 =	vld.idx.msk [tilespmem:v17+s22+$0x0], $0xffff;
	[tilespmem:s2+$0x2130] =	vst v22  }
0x7d: {  	v14 =	vld.idx.msk [tilespmem:v19+s22+$0x0], $0xffff;
	[tilespmem:s2+$0x2140] =	vst v23  }
0x7e: {  	_ =	sdelay $0x2  }
0x7f: {  	[tilespmem:s2+$0x2150] =	vst v13  }
0x80: {  	v8 =	vld.idx.msk [tilespmem:v8+s22+$0x0], $0xffff;
	[tilespmem:s2+$0x21F0] =	vst v12  }
0x81: {  	v7 =	vld.idx.msk [tilespmem:v7+s22+$0x0], $0xffff;
	[tilespmem:s2+$0x2160] =	vst v11  }
0x82: {  	v6 =	vld.idx.msk [tilespmem:v6+s22+$0x0], $0xffff;
	[tilespmem:s2+$0x2180] =	vst v9  }
0x83: {  	v5 =	vld.idx.msk [tilespmem:v5+s22+$0x0], $0xffff;
	[tilespmem:s2+$0x2190] =	vst v10  }
0x84: {  	s0 =	sadd.s32 s8, s1;
	[tilespmem:s2+$0x21A0] =	vst v14  }
0x85: {  	s3 =	sshll.u32 s0, $0x7;
	[tilespmem:s2+$0x21B0] =	vst v8  }
0x86: {  	s0 =	sshll.u32 s0, $0xA;
	s3 =	sand.u32 $0xF80, s3;
	[tilespmem:s2+$0x21C0] =	vst v7  }
0x87: {  	s0 =	sand.u32 $0xFFF8000, s0;
	s3 =	sadd.s32 s6, s3;
	[tilespmem:s2+$0x21D0] =	vst v6  }
0x88: {  	s0 =	sadd.s32 s0, s3;
	s3 =	sadd.s32 s1, s11;
	[tilespmem:s2+$0x21E0] =	vst v5  }
0x89: {  	[hbm4b:s0+s23] =	stream.strided.scatter [tilespmem:s25], [sflag:$0x3], $0x2000, s24, s23, $0x38;
	[tilespmem:$0x6100] =	vst v63  }
0x8a: {  	s0 =	sshll.u32 s3, $0x9  }
0x8b: {  	s0 =	sand.u32 $0xFFFFE00, s0  }
0x8c: {  	s0 =	sadd.s32 s4, s0  }
0x8d: {  	[tilespmem:s15], [sflag:$0x1] =	stream.linear.gather [hbm4b:s0+s7], $0x1000, $0x38;
	[tilespmem:$0x6100] =	vst v63  }
0x8e: {  	_ =	swait.ge [sflag:s26], $0x1000  }
0x8f: {  	[sflag:s26] =	ssyncset.done $0x0  }
0x90: {  	s2 =	simm.s32 @!p0 $0x4;
	s0 =	simm.s32 $0x0;
	[sflag:s26] =	ssyncadd.s32 $0xFFFFF000  }
0x91: {  	s17 =	simm.s32 $0x0;
	s9 =	sand.u32 $0x3, s0;
	_ =	swait.ge @!p0 [sflag:s2], $0x2000  }
0x92: {  	s17 =	sand.u32 $0x3FFFFF80, s17;
	s19 =	sshll.u32 s9, $0xA;
	[sflag:s2] =	ssyncset.done @!p0 $0x0  }
0x93: {  	s19 =	sadd.s32 s17, s19;
	[sflag:s2] =	ssyncadd.s32 @!p0 $0xFFFFE000  }
0x94: {  	v5 =	vld [tilespmem:s19+$0x1170]  }
0x95: {  	v6 =	vld [tilespmem:s19+$0x1100]  }
0x96: {  	v7 =	vld [tilespmem:s19+$0x1110]  }
0x97: {  	v8 =	vld [tilespmem:s19+$0x1120]  }
0x98: {  	v10 =	vld [tilespmem:s19+$0x1130]  }
0x99: {  	v14 =	vld [tilespmem:s19+$0x1140]  }
0x9a: {  	v15 =	vld [tilespmem:s19+$0x1150]  }
0x9b: {  	v16 =	vld [tilespmem:s19+$0x1160]  }
0x9c: {  	v9 =	vld.idx.msk [tilespmem:v5+s22+$0x0], $0xffff  }
0x9d: {  	v11 =	vld.idx.msk [tilespmem:v6+s22+$0x0], $0xffff  }
0x9e: {  	v17 =	vld.idx.msk [tilespmem:v7+s22+$0x0], $0xffff  }
0x9f: {  	s20 =	simm.s32 $0x0;
	v5 =	vadd.s32 $0x10, v5;
	v18 =	vld.idx.msk [tilespmem:v8+s22+$0x0], $0xffff  }
0xa0: {  	s3 =	sshll.u32 s9, $0x8;
	s2 =	sand.u32 $0x3FFFFC00, s20;
	v19 =	vld.idx.msk [tilespmem:v10+s22+$0x0], $0xffff;
	v7 =	vadd.s32 $0x10, v7  }
0xa1: {  	s3 =	sor.u32 s3, s2;
	v6 =	vadd.s32 $0x10, v6;
	v20 =	vld.idx.msk [tilespmem:v14+s22+$0x0], $0xffff  }
0xa2: {  	v13 =	vld.idx.msk [tilespmem:v15+s22+$0x0], $0xffff;
	[tilespmem:s3+$0x4170] =	vst v9  }
0xa3: {  	v21 =	vadd.s32 $0x10, v8;
	[tilespmem:s3+$0x4100] =	vst v11;
	v11 =	vld.idx.msk [tilespmem:v16+s22+$0x0], $0xffff  }
0xa4: {  	v8 =	vadd.s32 $0x10, v10;
	[tilespmem:s3+$0x4110] =	vst v17;
	v12 =	vld.idx.msk [tilespmem:v5+s22+$0x0], $0xffff  }
0xa5: {  	v10 =	vld.idx.msk [tilespmem:v7+s22+$0x0], $0xffff;
	v7 =	vadd.s32 $0x10, v14  }
0xa6: {  	[tilespmem:s3+$0x4120] =	vst v18;
	v9 =	vld.idx.msk [tilespmem:v6+s22+$0x0], $0xffff;
	v6 =	vadd.s32 $0x10, v15  }
0xa7: {  	[tilespmem:s3+$0x4130] =	vst v19;
	v5 =	vadd.s32 $0x10, v16  }
0xa8: {  	s17 =	simm.s32 $0x0;
	s2 =	sor.u32 $0x1, s1;
	[tilespmem:s3+$0x4140] =	vst v20;
	v14 =	vld.idx.msk [tilespmem:v21+s22+$0x0], $0xffff  }
.LBB2_5:
0xa9: {  	s17 =	sadd.s32 $0x8, s17;
	v8 =	vld.idx.msk [tilespmem:v8+s22+$0x0], $0xffff;
	[tilespmem:s3+$0x4150] =	vst v13;
	s0 =	sadd.s32 $0x1, s0  }
0xaa: {  	s19 =	sand.u32 $0x3, s0;
	s20 =	sshll.u32 s17, $0x2;
	p0 =	slt.u32 s17, $0xF8;
	v7 =	vld.idx.msk [tilespmem:v7+s22+$0x0], $0xffff;
	[tilespmem:s3+$0x41F0] =	vst v12  }
0xab: {  	s9 =	sshll.u32 s19, $0xA;
	s20 =	sand.u32 $0x3FFFFF80, s20;
	v6 =	vld.idx.msk [tilespmem:v6+s22+$0x0], $0xffff;
	[tilespmem:s3+$0x4160] =	vst v11  }
0xac: {  	s9 =	sadd.s32 s20, s9;
	[tilespmem:s3+$0x4180] =	vst v9;
	v5 =	vld.idx.msk [tilespmem:v5+s22+$0x0], $0xffff  }
0xad: {  	v9 =	vld [tilespmem:s9+$0x1170];
	[tilespmem:s3+$0x4190] =	vst v10  }
0xae: {  	v10 =	vld [tilespmem:s9+$0x1100];
	[tilespmem:s3+$0x41A0] =	vst v14  }
0xaf: {  	v11 =	vld [tilespmem:s9+$0x1110];
	[tilespmem:s3+$0x41B0] =	vst v8  }
0xb0: {  	v12 =	vld [tilespmem:s9+$0x1120];
	[tilespmem:s3+$0x41C0] =	vst v7  }
0xb1: {  	v13 =	vld [tilespmem:s9+$0x1130];
	[tilespmem:s3+$0x41D0] =	vst v6  }
0xb2: {  	v14 =	vld [tilespmem:s9+$0x1140];
	[tilespmem:s3+$0x41E0] =	vst v5  }
0xb3: {  	v15 =	vadd.s32 $0x10, v10;
	v16 =	vld [tilespmem:s9+$0x1150]  }
0xb4: {  	v17 =	vadd.s32 $0x10, v11;
	v18 =	vld [tilespmem:s9+$0x1160]  }
0xb5: {  	v19 =	vadd.s32 $0x10, v12;
	v20 =	vld.idx.msk [tilespmem:v9+s22+$0x0], $0xffff  }
0xb6: {  	v10 =	vld.idx.msk [tilespmem:v10+s22+$0x0], $0xffff;
	v8 =	vadd.s32 $0x10, v13  }
0xb7: {  	v9 =	vadd.s32 $0x10, v9;
	v11 =	vld.idx.msk [tilespmem:v11+s22+$0x0], $0xffff;
	v7 =	vadd.s32 $0x10, v14  }
0xb8: {  	s3 =	sshll.u32 s17, $0x5;
	v21 =	vld.idx.msk [tilespmem:v12+s22+$0x0], $0xffff;
	v6 =	vadd.s32 $0x10, v16  }
0xb9: {  	s3 =	sand.u32 $0x3FFFFC00, s3;
	s9 =	sshll.u32 s19, $0x8;
	v22 =	vld.idx.msk [tilespmem:v13+s22+$0x0], $0xffff;
	v5 =	vadd.s32 $0x10, v18  }
0xba: {  	s3 =	sor.u32 s9, s3;
	v23 =	vld.idx.msk [tilespmem:v14+s22+$0x0], $0xffff  }
0xbb: {  	v13 =	vld.idx.msk [tilespmem:v16+s22+$0x0], $0xffff;
	[tilespmem:s3+$0x4170] =	vst v20  }
.Ltmp1:
0xbc: {  	[tilespmem:s3+$0x4100] =	vst v10;
	v12 =	vld.idx.msk [tilespmem:v9+s22+$0x0], $0xffff;
	(pc) =	sbr.rel @p0 .LBB2_5-.Ltmp1, $4  }
0xbd: {  	[tilespmem:s3+$0x4110] =	vst v11;
	v11 =	vld.idx.msk [tilespmem:v18+s22+$0x0], $0xffff  }
0xbe: {  	v9 =	vld.idx.msk [tilespmem:v15+s22+$0x0], $0xffff;
	[tilespmem:s3+$0x4120] =	vst v21  }
0xbf: {  	v10 =	vld.idx.msk [tilespmem:v17+s22+$0x0], $0xffff;
	[tilespmem:s3+$0x4130] =	vst v22  }
0xc0: {  	v14 =	vld.idx.msk [tilespmem:v19+s22+$0x0], $0xffff;
	[tilespmem:s3+$0x4140] =	vst v23  }
0xc1: {  	_ =	sdelay $0x2  }
0xc2: {  	[tilespmem:s3+$0x4150] =	vst v13  }
0xc3: {  	v8 =	vld.idx.msk [tilespmem:v8+s22+$0x0], $0xffff;
	[tilespmem:s3+$0x41F0] =	vst v12  }
0xc4: {  	v7 =	vld.idx.msk [tilespmem:v7+s22+$0x0], $0xffff;
	[tilespmem:s3+$0x4160] =	vst v11  }
0xc5: {  	v6 =	vld.idx.msk [tilespmem:v6+s22+$0x0], $0xffff;
	[tilespmem:s3+$0x4180] =	vst v9  }
0xc6: {  	v5 =	vld.idx.msk [tilespmem:v5+s22+$0x0], $0xffff;
	[tilespmem:s3+$0x4190] =	vst v10  }
0xc7: {  	s0 =	sadd.s32 s8, s2;
	p0 =	seq.s32 s5, $0xB;
	[tilespmem:s3+$0x41A0] =	vst v14  }
.Ltmp2:
0xc8: {  	s2 =	sshll.u32 s0, $0x7;
	[tilespmem:s3+$0x41B0] =	vst v8;
	(pc) =	sbr.rel @p0 .LBB2_8-.Ltmp2, $4  }
0xc9: {  	s0 =	sshll.u32 s0, $0xA;
	s2 =	sand.u32 $0xF80, s2;
	[tilespmem:s3+$0x41C0] =	vst v7  }
0xca: {  	s0 =	sand.u32 $0xFFF8000, s0;
	s2 =	sadd.s32 s6, s2;
	[tilespmem:s3+$0x41D0] =	vst v6  }
0xcb: {  	s0 =	sadd.s32 s0, s2;
	[tilespmem:s3+$0x41E0] =	vst v5  }
0xcc: {  	[hbm4b:s0+s23] =	stream.strided.scatter [tilespmem:s28], [sflag:$0x4], $0x2000, s24, s23, $0x38;
	[tilespmem:$0x6100] =	vst v63  }
.Ltmp3:
0xcd: {  	s0 =	sadd.s32 s1, s12;
	(pc) =	sbr.rel .LBB2_2-.Ltmp3, $4  }
0xce: {  	s0 =	sshll.u32 s0, $0x9  }
0xcf: {  	s0 =	sand.u32 $0xFFFFE00, s0  }
0xd0: {  	s5 =	sadd.s32 $0x1, s5;
	s0 =	sadd.s32 s4, s0  }
0xd1: {  	[tilespmem:s16], [sflag:$0x2] =	stream.linear.gather [hbm4b:s0+s7], $0x1000, $0x38;
	[tilespmem:$0x6100] =	vst v63  }
.LBB2_8:
0xd2: {  	_ =	swait.ge [sflag:s21], $0x1000  }
0xd3: {  	[sflag:s21] =	ssyncset.done $0x0  }
0xd4: {  	s0 =	simm.s32 $0x0;
	[sflag:s21] =	ssyncadd.s32 $0xFFFFF000  }
0xd5: {  	s2 =	simm.s32 $0x0;
	s1 =	sand.u32 $0x3, s0;
	_ =	swait.ge [sflag:s29], $0x2000  }
0xd6: {  	s2 =	sand.u32 $0x3FFFFF80, s2;
	s3 =	sshll.u32 s1, $0xA;
	[sflag:s29] =	ssyncset.done $0x0  }
0xd7: {  	s2 =	sadd.s32 s2, s3;
	[sflag:s29] =	ssyncadd.s32 $0xFFFFE000  }
0xd8: {  	v5 =	vld [tilespmem:s2+$0x170]  }
0xd9: {  	v6 =	vld [tilespmem:s2+$0x100]  }
0xda: {  	v7 =	vld [tilespmem:s2+$0x110]  }
0xdb: {  	v8 =	vld [tilespmem:s2+$0x120]  }
0xdc: {  	v10 =	vld [tilespmem:s2+$0x130]  }
0xdd: {  	v13 =	vld [tilespmem:s2+$0x140]  }
0xde: {  	v15 =	vld [tilespmem:s2+$0x150]  }
0xdf: {  	v16 =	vld [tilespmem:s2+$0x160]  }
0xe0: {  	v9 =	vld.idx.msk [tilespmem:v5+s22+$0x0], $0xffff  }
0xe1: {  	v11 =	vld.idx.msk [tilespmem:v6+s22+$0x0], $0xffff  }
0xe2: {  	v17 =	vld.idx.msk [tilespmem:v7+s22+$0x0], $0xffff  }
0xe3: {  	s20 =	simm.s32 $0x0;
	v5 =	vadd.s32 $0x10, v5;
	v18 =	vld.idx.msk [tilespmem:v8+s22+$0x0], $0xffff  }
0xe4: {  	s1 =	sshll.u32 s1, $0x8;
	s2 =	sand.u32 $0x3FFFFC00, s20;
	v19 =	vld.idx.msk [tilespmem:v10+s22+$0x0], $0xffff;
	v7 =	vadd.s32 $0x10, v7  }
0xe5: {  	s1 =	sor.u32 s1, s2;
	v6 =	vadd.s32 $0x10, v6;
	v20 =	vld.idx.msk [tilespmem:v13+s22+$0x0], $0xffff  }
0xe6: {  	v14 =	vld.idx.msk [tilespmem:v15+s22+$0x0], $0xffff;
	[tilespmem:s1+$0x2170] =	vst v9  }
0xe7: {  	v21 =	vadd.s32 $0x10, v8;
	[tilespmem:s1+$0x2100] =	vst v11;
	v11 =	vld.idx.msk [tilespmem:v16+s22+$0x0], $0xffff  }
0xe8: {  	v8 =	vadd.s32 $0x10, v10;
	[tilespmem:s1+$0x2110] =	vst v17;
	v12 =	vld.idx.msk [tilespmem:v5+s22+$0x0], $0xffff  }
0xe9: {  	v10 =	vld.idx.msk [tilespmem:v7+s22+$0x0], $0xffff;
	v7 =	vadd.s32 $0x10, v13  }
0xea: {  	[tilespmem:s1+$0x2120] =	vst v18;
	v9 =	vld.idx.msk [tilespmem:v6+s22+$0x0], $0xffff;
	v6 =	vadd.s32 $0x10, v15  }
0xeb: {  	[tilespmem:s1+$0x2130] =	vst v19;
	v5 =	vadd.s32 $0x10, v16  }
0xec: {  	s2 =	simm.s32 $0x0;
	[tilespmem:s1+$0x2140] =	vst v20;
	v13 =	vld.idx.msk [tilespmem:v21+s22+$0x0], $0xffff  }
.LBB2_9:
0xed: {  	s2 =	sadd.s32 $0x8, s2;
	v8 =	vld.idx.msk [tilespmem:v8+s22+$0x0], $0xffff;
	[tilespmem:s1+$0x2150] =	vst v14;
	s0 =	sadd.s32 $0x1, s0  }
0xee: {  	s3 =	sand.u32 $0x3, s0;
	s5 =	sshll.u32 s2, $0x2;
	p0 =	slt.u32 s2, $0xF8;
	v7 =	vld.idx.msk [tilespmem:v7+s22+$0x0], $0xffff;
	[tilespmem:s1+$0x21F0] =	vst v12  }
0xef: {  	s9 =	sshll.u32 s3, $0xA;
	s5 =	sand.u32 $0x3FFFFF80, s5;
	v6 =	vld.idx.msk [tilespmem:v6+s22+$0x0], $0xffff;
	[tilespmem:s1+$0x2160] =	vst v11  }
0xf0: {  	s5 =	sadd.s32 s5, s9;
	[tilespmem:s1+$0x2180] =	vst v9;
	v5 =	vld.idx.msk [tilespmem:v5+s22+$0x0], $0xffff  }
0xf1: {  	v9 =	vld [tilespmem:s5+$0x170];
	[tilespmem:s1+$0x2190] =	vst v10  }
0xf2: {  	v10 =	vld [tilespmem:s5+$0x100];
	[tilespmem:s1+$0x21A0] =	vst v13  }
0xf3: {  	v11 =	vld [tilespmem:s5+$0x110];
	[tilespmem:s1+$0x21B0] =	vst v8  }
0xf4: {  	v12 =	vld [tilespmem:s5+$0x120];
	[tilespmem:s1+$0x21C0] =	vst v7  }
0xf5: {  	v13 =	vld [tilespmem:s5+$0x130];
	[tilespmem:s1+$0x21D0] =	vst v6  }
0xf6: {  	v14 =	vld [tilespmem:s5+$0x140];
	[tilespmem:s1+$0x21E0] =	vst v5  }
0xf7: {  	v15 =	vadd.s32 $0x10, v10;
	v16 =	vld [tilespmem:s5+$0x150]  }
0xf8: {  	v17 =	vadd.s32 $0x10, v11;
	v18 =	vld [tilespmem:s5+$0x160]  }
0xf9: {  	v19 =	vadd.s32 $0x10, v12;
	v20 =	vld.idx.msk [tilespmem:v9+s22+$0x0], $0xffff  }
0xfa: {  	v10 =	vld.idx.msk [tilespmem:v10+s22+$0x0], $0xffff;
	v8 =	vadd.s32 $0x10, v13  }
0xfb: {  	v9 =	vadd.s32 $0x10, v9;
	v11 =	vld.idx.msk [tilespmem:v11+s22+$0x0], $0xffff;
	v7 =	vadd.s32 $0x10, v14  }
0xfc: {  	s1 =	sshll.u32 s2, $0x5;
	v21 =	vld.idx.msk [tilespmem:v12+s22+$0x0], $0xffff;
	v6 =	vadd.s32 $0x10, v16  }
0xfd: {  	s3 =	sshll.u32 s3, $0x8;
	s1 =	sand.u32 $0x3FFFFC00, s1;
	v13 =	vld.idx.msk [tilespmem:v13+s22+$0x0], $0xffff;
	v5 =	vadd.s32 $0x10, v18  }
0xfe: {  	s1 =	sor.u32 s3, s1;
	v22 =	vld.idx.msk [tilespmem:v14+s22+$0x0], $0xffff  }
0xff: {  	v14 =	vld.idx.msk [tilespmem:v16+s22+$0x0], $0xffff;
	[tilespmem:s1+$0x2170] =	vst v20  }
.Ltmp4:
0x100: {  	[tilespmem:s1+$0x2100] =	vst v10;
	v12 =	vld.idx.msk [tilespmem:v9+s22+$0x0], $0xffff;
	(pc) =	sbr.rel @p0 .LBB2_9-.Ltmp4, $4  }
0x101: {  	[tilespmem:s1+$0x2110] =	vst v11;
	v11 =	vld.idx.msk [tilespmem:v18+s22+$0x0], $0xffff  }
0x102: {  	v9 =	vld.idx.msk [tilespmem:v15+s22+$0x0], $0xffff;
	[tilespmem:s1+$0x2120] =	vst v21  }
0x103: {  	v10 =	vld.idx.msk [tilespmem:v17+s22+$0x0], $0xffff;
	[tilespmem:s1+$0x2130] =	vst v13  }
0x104: {  	v13 =	vld.idx.msk [tilespmem:v19+s22+$0x0], $0xffff;
	[tilespmem:s1+$0x2140] =	vst v22  }
0x105: {  	_ =	sdelay $0x2  }
0x106: {  	[tilespmem:s1+$0x2150] =	vst v14  }
0x107: {  	v8 =	vld.idx.msk [tilespmem:v8+s22+$0x0], $0xffff;
	[tilespmem:s1+$0x21F0] =	vst v12  }
0x108: {  	v7 =	vld.idx.msk [tilespmem:v7+s22+$0x0], $0xffff;
	[tilespmem:s1+$0x2160] =	vst v11  }
0x109: {  	v6 =	vld.idx.msk [tilespmem:v6+s22+$0x0], $0xffff;
	[tilespmem:s1+$0x2180] =	vst v9  }
0x10a: {  	v5 =	vld.idx.msk [tilespmem:v5+s22+$0x0], $0xffff;
	[tilespmem:s1+$0x2190] =	vst v10  }
0x10b: {  	[tilespmem:s1+$0x21A0] =	vst v13  }
0x10c: {  	[tilespmem:s1+$0x21B0] =	vst v8  }
0x10d: {  	[tilespmem:s1+$0x21C0] =	vst v7  }
0x10e: {  	[tilespmem:s1+$0x21D0] =	vst v6  }
0x10f: {  	s31 =	sadd.s32 $0x1, s31;
	[tilespmem:s1+$0x21E0] =	vst v5  }
0x110: {  	[hbm4b:s13+s23] =	stream.strided.scatter [tilespmem:s25], [sflag:$0x3], $0x2000, s24, s23, $0x38;
	[tilespmem:$0x6100] =	vst v63  }
0x111: {  	p0 =	sne.s32 s31, s14;
	_ =	swait.ge [sflag:s30], $0x2000  }
.Ltmp5:
0x112: {  	[sflag:s30] =	ssyncset.done $0x0;
	(pc) =	sbr.rel @p0 .LBB2_1-.Ltmp5, $4  }
0x113: {  	[sflag:s30] =	ssyncadd.s32 $0xFFFFE000  }
0x114: {  	_ =	swait.ge [sflag:s29], $0x2000  }
0x115: {  	[sflag:s29] =	ssyncset.done $0x0  }
0x116: {  	[sflag:s29] =	ssyncadd.s32 $0xFFFFE000  }
0x117: {  	_ =	sfence.sel $0x180000  }
0x118: {  	[bflag:$0x0] =	sbarrier.arrive $0xFFFF  }
0x119: {  	_ =	strace $0x90000047  }
0x11a: {  	s0 =	stileid.u32;
	[bflag:$0x2] =	sbarrier.arrive $0xFFFF  }
0x11b: {  	p0 =	sne.s32 s0, $0x0;
	s0 =	rddreg [dreg:$0x5]  }
0x11c: {  	s0 =	sadd.s32 @!p0 $0x100000, s0  }
0x11d: {  	[sflag:s0] =	ssyncadd.tile.s32 @!p0 $0x1;
	_ =	shalt  }
.Lfunc_end2:
_tile_overlayer_lowered:
.L_overlay_start_2:
0x11e: {  	(tag) =	ssettag $0x2  }
0x11f: {  	s0 =	rddreg [dreg:$0x0];
	s2 =	stileid.u32  }
0x120: {  	s1 =	rddreg [dreg:$0x1];
	p0 =	sne.s32 s2, $0x0  }
0x121: {  	s3 =	rddreg [dreg:$0x2];
	[bflag:$0x3] =	sbarrier.arrive $0xFFFF;
	s2 =	simm.s32 @!p0 $0x1C05  }
0x122: {  	[timem:s3], [sflag:s2] =	dma.local @!p0 [hbm:s0], s1  }
0x123: {  	s0 =	simm.s32 @!p0 $0x5  }
0x124: {  	_ =	swait.ge @!p0 [sflag:s0], s1  }
0x125: {  	s1 =	ssub.s32 @!p0 $0x0, s1;
	[sflag:s0] =	ssyncset.done @!p0 $0x0  }
0x126: {  	[sflag:s0] =	ssyncadd.s32 @!p0 s1  }
0x127: {  	[bflag:$0x3] =	sbarrier.arrive $0xFFFF  }
0x128: {  	_ =	shalt  }

</sc_bundles>
